<compile_context>
chip_gen: v7x
topology: tpu7x:2x2x1
jax: 0.10.2.dev20260603
libtpu: 0.0.44.dev20260713+nightly
codegen_flags: <defaults>
</compile_context>

<pallas_src>
import functools

import jax
import jax.numpy as jnp
from jax import lax
from jax.experimental import pallas as pl
from jax.experimental.pallas import tpu as pltpu
from jax.experimental.pallas import tpu_sc as plsc

NC = 2
NS = 16
NW = NC * NS

CH = 80


def _sc_aggregate(feature, src, dst, cpt, n_pad):
  n, d = feature.shape
  rpt = n_pad // NS
  assert n_pad % NS == 0 and rpt % CH == 0 and cpt % 2 == 1

  mesh = plsc.VectorSubcoreMesh(core_axis_name="c", subcore_axis_name="s")

  @functools.partial(
      pl.kernel,
      out_type=[
          jax.ShapeDtypeStruct((NC, n_pad, d), jnp.float32),
          jax.ShapeDtypeStruct((NC, n_pad), jnp.float32),
      ],
      mesh=mesh,
      scratch_types=[
          pltpu.VMEM((4, CH, d), jnp.float32),
          pltpu.VMEM((4 * CH,), jnp.int32),
          pltpu.VMEM((4 * CH,), jnp.int32),
          pltpu.VMEM((CH,), jnp.float32),
          pltpu.VMEM((rpt,), jnp.float32),
          pltpu.VMEM_SHARED((n_pad, d), jnp.float32),
          pltpu.VMEM_SHARED((n_pad,), jnp.float32),
          [pltpu.SemaphoreType.DMA] * 4,
          [pltpu.SemaphoreType.DMA] * 4,
      ],
  )
  def agg(feat_hbm, src_hbm, dst_hbm, sums_hbm, degs_hbm,
          rows_v, src_v, dst_v, ones_v, zdeg_v,
          acc_sh, deg_sh, gsem, isem):
    c = lax.axis_index("c")
    s = lax.axis_index("s")
    w = c * NS + s

    zeros16 = jnp.zeros((16,), jnp.float32)
    ones16 = jnp.ones((16,), jnp.float32)

    def fill_rows(r, _):
      for k in range(d // 16):
        rows_v[0, r, pl.ds(k * 16, 16)] = zeros16
      return 0
    lax.fori_loop(0, CH, fill_rows, 0)
    for k in range(CH // 16):
      ones_v[pl.ds(k * 16, 16)] = ones16
    def fill_zdeg(i, _):
      zdeg_v[pl.ds(i * 16, 16)] = zeros16
      return 0
    lax.fori_loop(0, rpt // 16, fill_zdeg, 0)

    for k in range(rpt // CH):
      pltpu.sync_copy(rows_v.at[0], acc_sh.at[pl.ds(s * rpt + k * CH, CH), :])
    pltpu.sync_copy(zdeg_v, deg_sh.at[pl.ds(s * rpt, rpt)])
    plsc.subcore_barrier()

    base = w * cpt * CH

    def fetch(i, q):
      pltpu.async_copy(src_hbm.at[pl.ds(base + i * CH, CH)],
                       src_v.at[pl.ds(q * CH, CH)], isem[q])
      pltpu.async_copy(dst_hbm.at[pl.ds(base + i * CH, CH)],
                       dst_v.at[pl.ds(q * CH, CH)], isem[q])

    def wait_idx(q):
      pltpu.make_async_copy(src_hbm.at[pl.ds(0, CH)],
                            src_v.at[pl.ds(q * CH, CH)], isem[q]).wait()
      pltpu.make_async_copy(dst_hbm.at[pl.ds(0, CH)],
                            dst_v.at[pl.ds(q * CH, CH)], isem[q]).wait()

    def gather(q):
      pltpu.async_copy(feat_hbm.at[src_v.at[pl.ds(q * CH, CH)]],
                       rows_v.at[q], gsem[q])

    def wait_gather(q):
      pltpu.make_async_copy(feat_hbm.at[src_v.at[pl.ds(q * CH, CH)]],
                            rows_v.at[q], gsem[q]).wait()

    def scat(q):
      didx = dst_v.at[pl.ds(q * CH, CH)]
      pltpu.sync_copy(rows_v.at[q], acc_sh.at[didx], add=True)
      pltpu.sync_copy(ones_v, deg_sh.at[didx], add=True)

    for j in range(4):
      fetch(j, j)
    wait_idx(0)
    gather(0)
    wait_idx(1)
    gather(1)

    nfull = cpt // 4

    def step(p, _):
      for q in range(4):
        i = 4 * p + q
        q2 = (q + 2) % 4
        if q <= 1:
          wait_idx(q2)
          gather(q2)
        else:
          @pl.when(p < nfull - 1)
          def _():
            wait_idx(q2)
            gather(q2)
        wait_gather(q)
        scat(q)
        if q == 0:
          fetch(i + 4, q)
        else:
          @pl.when(p < nfull - 1)
          def _():
            fetch(i + 4, q)
      return 0
    lax.fori_loop(0, nfull, step, 0)

    wait_idx(0)
    gather(0)
    wait_gather(0)
    scat(0)

    plsc.subcore_barrier()
    pltpu.sync_copy(acc_sh.at[pl.ds(s * rpt, rpt), :],
                    sums_hbm.at[c, pl.ds(s * rpt, rpt), :])
    pltpu.sync_copy(deg_sh.at[pl.ds(s * rpt, rpt)],
                    degs_hbm.at[c, pl.ds(s * rpt, rpt)])

  return agg(feature, src, dst)


def _tc_finish(sums, degt, feature, W, b2d, blk):
  n, d = feature.shape
  d_out = W.shape[1]

  def body(sums_ref, deg_ref, feat_ref, w_ref, b_ref, out_ref):
    i = pl.program_id(0)
    sblk = sums_ref[...]
    ssum = sblk[0] + sblk[1]
    dg = deg_ref[pl.ds(i * blk, blk), :]
    dsum = dg[:, 0:1] + dg[:, 1:2]
    mean = ssum / jnp.maximum(dsum, 1.0)
    h = jnp.where(dsum > 0.0, mean, feat_ref[...])
    acc = jnp.dot(h, w_ref[...], preferred_element_type=jnp.float32)
    out_ref[...] = jnp.maximum(acc + b_ref[...], 0.0)

  return pl.pallas_call(
      body,
      grid=(n // blk,),
      in_specs=[
          pl.BlockSpec((NC, blk, d), lambda i: (0, i, 0)),
          pl.BlockSpec(degt.shape, lambda i: (0, 0)),
          pl.BlockSpec((blk, d), lambda i: (i, 0)),
          pl.BlockSpec((d, d_out), lambda i: (0, 0)),
          pl.BlockSpec((1, d_out), lambda i: (0, 0)),
      ],
      out_specs=pl.BlockSpec((blk, d_out), lambda i: (i, 0)),
      out_shape=jax.ShapeDtypeStruct((n, d_out), jnp.float32),
  )(sums, degt, feature, W, b2d)


def kernel(feature, edge_index, W, b):
  n, d = feature.shape
  e = edge_index.shape[1]
  n_pad = ((n + NS * CH - 1) // (NS * CH)) * (NS * CH)
  cpt = e // (NW * CH)
  sums, degs = _sc_aggregate(feature, edge_index[0], edge_index[1], cpt, n_pad)
  degt = degs.T
  return _tc_finish(sums, degt, feature, W, b.reshape(1, -1), 2000)

# --- scband reference (transcript-rebuilt; emitter-appended) ---
"""Pipeline reference for scband-gcn-84731114815818 (READ-ONLY COPY).

The authoritative reference and input builder live on the scoring server;
editing this copy changes nothing except your own understanding.
"""

import jax, jax.numpy as jnp
import numpy as np

N = 10000
E = 320000
D_IN = 128
D_OUT = 128


def setup_inputs(seed: int = 0) -> dict:
    key = jax.random.key(seed)
    k1, k2, k3, k4 = jax.random.split(key, 4)
    feature = jax.random.normal(k1, (N, D_IN), dtype=jnp.float32)
    edge_index = jax.random.randint(k2, (2, E), 0, N, dtype=jnp.int32)
    # Learned params of NodeApplyModule.linear (torch.nn.Linear(in_feats, out_feats)).
    # Stored as (D_IN, D_OUT) so forward is x @ W + b (equivalent to torch's x @ W_t.T + b).
    W = jax.random.normal(k3, (D_IN, D_OUT), dtype=jnp.float32) * (1.0 / np.sqrt(D_IN))
    b = jax.random.normal(k4, (D_OUT,), dtype=jnp.float32) * 0.01
    return {"feature": feature, "edge_index": edge_index, "W": W, "b": b}


def reference(feature, edge_index, W, b):
    # DGL update_all(copy_src('h'), mean reduce):
    #   each edge copies source feature to dst mailbox; dst takes mean over mailbox.
    # Nodes with no incoming edges keep their original feature (reduce not applied).
    src = edge_index[0]
    dst = edge_index[1]
    msgs = jnp.take(feature, src, axis=0)                         # gather [E, D_IN]
    summed = jax.ops.segment_sum(msgs, dst, num_segments=N)       # scatter-add [N, D_IN]
    deg = jax.ops.segment_sum(jnp.ones((msgs.shape[0],), dtype=feature.dtype), dst, num_segments=N)
    mean = summed / jnp.maximum(deg, 1.0)[:, None]
    h = jnp.where((deg > 0)[:, None], mean, feature)
    # apply_nodes: ReLU(W h + b)
    out = jax.nn.relu(h @ W + b)
    return out

if __name__ == "__main__":
    import jax
    _d = setup_inputs()
    print(jax.jit(kernel)(*tuple(_d.values())))

</pallas_src>

<mosaic_0001>
#map = affine_map<(d0, d1) -> (0, 0)>
#map1 = affine_map<(d0, d1) -> (0)>
#map2 = affine_map<(d0, d1) -> (0, 0, 0)>
module attributes {stable_mosaic.version = 14 : i64} {
  func.func @agg(%arg0: i32, %arg1: i32, %arg2: memref<10000x128xf32, #tpu.memory_space<hbm>>, %arg3: memref<320000xi32, #tpu.memory_space<hbm>>, %arg4: memref<320000xi32, #tpu.memory_space<hbm>>, %arg5: memref<2x10240x128xf32, #tpu.memory_space<hbm>>, %arg6: memref<2x10240xf32, #tpu.memory_space<hbm>>, %arg7: memref<4x80x128xf32, #tpu.memory_space<vmem>>, %arg8: memref<320xi32, #tpu.memory_space<vmem>>, %arg9: memref<320xi32, #tpu.memory_space<vmem>>, %arg10: memref<80xf32, #tpu.memory_space<vmem>>, %arg11: memref<640xf32, #tpu.memory_space<vmem>>, %arg12: memref<10240x128xf32, #tpu.memory_space<vmem_shared>>, %arg13: memref<10240xf32, #tpu.memory_space<vmem_shared>>, %arg14: memref<!tpu.dma_semaphore, #tpu.memory_space<semaphore_mem>>, %arg15: memref<!tpu.dma_semaphore, #tpu.memory_space<semaphore_mem>>, %arg16: memref<!tpu.dma_semaphore, #tpu.memory_space<semaphore_mem>>, %arg17: memref<!tpu.dma_semaphore, #tpu.memory_space<semaphore_mem>>, %arg18: memref<!tpu.dma_semaphore, #tpu.memory_space<semaphore_mem>>, %arg19: memref<!tpu.dma_semaphore, #tpu.memory_space<semaphore_mem>>, %arg20: memref<!tpu.dma_semaphore, #tpu.memory_space<semaphore_mem>>, %arg21: memref<!tpu.dma_semaphore, #tpu.memory_space<semaphore_mem>>) attributes {dimension_semantics = [#tpu.dimension_semantics<core_parallel>, #tpu.dimension_semantics<subcore_parallel>], iteration_bounds = array<i64: 2, 16>, scalar_prefetch = 0 : i64, scratch_operands = 15 : i64, tpu.core_type = #tpu.core_type<sc_vector_subcore>, window_params = [{transform_indices = #map}, {transform_indices = #map1}, {transform_indices = #map1}, {transform_indices = #map2}, {transform_indices = #map}]} {
    %mul3A = arith.constant 16 : i32
    %mul3A_0 = arith.muli %arg0, %mul3A : i32
    %add3A = arith.addi %mul3A_0, %arg1 : i32
    %broadcast_in_dim3A = arith.constant 0.000000e+00 : f32
    %broadcast_in_dim3A_1 = vector.broadcast %broadcast_in_dim3A : f32 to vector<16xf32>
    %broadcast_in_dim3A_2 = arith.constant 1.000000e+00 : f32
    %broadcast_in_dim3A_3 = vector.broadcast %broadcast_in_dim3A_2 : f32 to vector<16xf32>
    %scan3A = arith.constant 0 : i32
    %scan3A_4 = arith.constant 0 : i32
    %scan3A_5 = arith.constant 80 : i32
    %scan3A_6 = arith.addi %scan3A_4, %scan3A_5 : i32
    %scan3A_7 = arith.constant 1 : i32
    %scan3A_8 = scf.for %scan3A_248 = %scan3A_4 to %scan3A_6 step %scan3A_7 iter_args(%scan3A_249 = %scan3A) -> (i32)  : i32 {
      %swap3A_250 = arith.constant 0 : i32
      %swap3A_251 = arith.index_cast %swap3A_250 : i32 to index
      %swap3A_252 = arith.index_cast %scan3A_248 : i32 to index
      %swap3A_253 = arith.constant 0 : index
      %swap3A_254 = tpu.vector_load %arg7[%swap3A_251, %swap3A_252, %swap3A_253] {strides = array<i32>} : memref<4x80x128xf32, #tpu.memory_space<vmem>>, vector<1x1x16xf32>,
      %swap3A_255 = vector.shape_cast %swap3A_254 : vector<1x1x16xf32> to vector<16xf32>
      %swap3A_256 = vector.shape_cast %broadcast_in_dim3A_1 : vector<16xf32> to vector<1x1x16xf32>
      tpu.vector_store %arg7[%swap3A_251, %swap3A_252, %swap3A_253], %swap3A_256 {strides = array<i32>} : memref<4x80x128xf32, #tpu.memory_space<vmem>>, vector<1x1x16xf32>,
      %swap3A_257 = arith.constant 0 : i32
      %swap3A_258 = arith.index_cast %swap3A_257 : i32 to index
      %swap3A_259 = arith.index_cast %scan3A_248 : i32 to index
      %swap3A_260 = arith.constant 16 : index
      %swap3A_261 = tpu.vector_load %arg7[%swap3A_258, %swap3A_259, %swap3A_260] {strides = array<i32>} : memref<4x80x128xf32, #tpu.memory_space<vmem>>, vector<1x1x16xf32>,
      %swap3A_262 = vector.shape_cast %swap3A_261 : vector<1x1x16xf32> to vector<16xf32>
      %swap3A_263 = vector.shape_cast %broadcast_in_dim3A_1 : vector<16xf32> to vector<1x1x16xf32>
      tpu.vector_store %arg7[%swap3A_258, %swap3A_259, %swap3A_260], %swap3A_263 {strides = array<i32>} : memref<4x80x128xf32, #tpu.memory_space<vmem>>, vector<1x1x16xf32>,
      %swap3A_264 = arith.constant 0 : i32
      %swap3A_265 = arith.index_cast %swap3A_264 : i32 to index
      %swap3A_266 = arith.index_cast %scan3A_248 : i32 to index
      %swap3A_267 = arith.constant 32 : index
      %swap3A_268 = tpu.vector_load %arg7[%swap3A_265, %swap3A_266, %swap3A_267] {strides = array<i32>} : memref<4x80x128xf32, #tpu.memory_space<vmem>>, vector<1x1x16xf32>,
      %swap3A_269 = vector.shape_cast %swap3A_268 : vector<1x1x16xf32> to vector<16xf32>
      %swap3A_270 = vector.shape_cast %broadcast_in_dim3A_1 : vector<16xf32> to vector<1x1x16xf32>
      tpu.vector_store %arg7[%swap3A_265, %swap3A_266, %swap3A_267], %swap3A_270 {strides = array<i32>} : memref<4x80x128xf32, #tpu.memory_space<vmem>>, vector<1x1x16xf32>,
      %swap3A_271 = arith.constant 0 : i32
      %swap3A_272 = arith.index_cast %swap3A_271 : i32 to index
      %swap3A_273 = arith.index_cast %scan3A_248 : i32 to index
      %swap3A_274 = arith.constant 48 : index
      %swap3A_275 = tpu.vector_load %arg7[%swap3A_272, %swap3A_273, %swap3A_274] {strides = array<i32>} : memref<4x80x128xf32, #tpu.memory_space<vmem>>, vector<1x1x16xf32>,
      %swap3A_276 = vector.shape_cast %swap3A_275 : vector<1x1x16xf32> to vector<16xf32>
      %swap3A_277 = vector.shape_cast %broadcast_in_dim3A_1 : vector<16xf32> to vector<1x1x16xf32>
      tpu.vector_store %arg7[%swap3A_272, %swap3A_273, %swap3A_274], %swap3A_277 {strides = array<i32>} : memref<4x80x128xf32, #tpu.memory_space<vmem>>, vector<1x1x16xf32>,
      %swap3A_278 = arith.constant 0 : i32
      %swap3A_279 = arith.index_cast %swap3A_278 : i32 to index
      %swap3A_280 = arith.index_cast %scan3A_248 : i32 to index
      %swap3A_281 = arith.constant 64 : index
      %swap3A_282 = tpu.vector_load %arg7[%swap3A_279, %swap3A_280, %swap3A_281] {strides = array<i32>} : memref<4x80x128xf32, #tpu.memory_space<vmem>>, vector<1x1x16xf32>,
      %swap3A_283 = vector.shape_cast %swap3A_282 : vector<1x1x16xf32> to vector<16xf32>
      %swap3A_284 = vector.shape_cast %broadcast_in_dim3A_1 : vector<16xf32> to vector<1x1x16xf32>
      tpu.vector_store %arg7[%swap3A_279, %swap3A_280, %swap3A_281], %swap3A_284 {strides = array<i32>} : memref<4x80x128xf32, #tpu.memory_space<vmem>>, vector<1x1x16xf32>,
      %swap3A_285 = arith.constant 0 : i32
      %swap3A_286 = arith.index_cast %swap3A_285 : i32 to index
      %swap3A_287 = arith.index_cast %scan3A_248 : i32 to index
      %swap3A_288 = arith.constant 80 : index
      %swap3A_289 = tpu.vector_load %arg7[%swap3A_286, %swap3A_287, %swap3A_288] {strides = array<i32>} : memref<4x80x128xf32, #tpu.memory_space<vmem>>, vector<1x1x16xf32>,
      %swap3A_290 = vector.shape_cast %swap3A_289 : vector<1x1x16xf32> to vector<16xf32>
      %swap3A_291 = vector.shape_cast %broadcast_in_dim3A_1 : vector<16xf32> to vector<1x1x16xf32>
      tpu.vector_store %arg7[%swap3A_286, %swap3A_287, %swap3A_288], %swap3A_291 {strides = array<i32>} : memref<4x80x128xf32, #tpu.memory_space<vmem>>, vector<1x1x16xf32>,
      %swap3A_292 = arith.constant 0 : i32
      %swap3A_293 = arith.index_cast %swap3A_292 : i32 to index
      %swap3A_294 = arith.index_cast %scan3A_248 : i32 to index
      %swap3A_295 = arith.constant 96 : index
      %swap3A_296 = tpu.vector_load %arg7[%swap3A_293, %swap3A_294, %swap3A_295] {strides = array<i32>} : memref<4x80x128xf32, #tpu.memory_space<vmem>>, vector<1x1x16xf32>,
      %swap3A_297 = vector.shape_cast %swap3A_296 : vector<1x1x16xf32> to vector<16xf32>
      %swap3A_298 = vector.shape_cast %broadcast_in_dim3A_1 : vector<16xf32> to vector<1x1x16xf32>
      tpu.vector_store %arg7[%swap3A_293, %swap3A_294, %swap3A_295], %swap3A_298 {strides = array<i32>} : memref<4x80x128xf32, #tpu.memory_space<vmem>>, vector<1x1x16xf32>,
      %swap3A_299 = arith.constant 0 : i32
      %swap3A_300 = arith.index_cast %swap3A_299 : i32 to index
      %swap3A_301 = arith.index_cast %scan3A_248 : i32 to index
      %swap3A_302 = arith.constant 112 : index
      %swap3A_303 = tpu.vector_load %arg7[%swap3A_300, %swap3A_301, %swap3A_302] {strides = array<i32>} : memref<4x80x128xf32, #tpu.memory_space<vmem>>, vector<1x1x16xf32>,
      %swap3A_304 = vector.shape_cast %swap3A_303 : vector<1x1x16xf32> to vector<16xf32>
      %swap3A_305 = vector.shape_cast %broadcast_in_dim3A_1 : vector<16xf32> to vector<1x1x16xf32>
      tpu.vector_store %arg7[%swap3A_300, %swap3A_301, %swap3A_302], %swap3A_305 {strides = array<i32>} : memref<4x80x128xf32, #tpu.memory_space<vmem>>, vector<1x1x16xf32>,
      %scan3A_306 = arith.constant 0 : i32
      scf.yield %scan3A_306 : i32
    }
    %scan3A_9 = arith.constant 80 : i32
    %swap3A = arith.constant 0 : index
    %swap3A_10 = tpu.vector_load %arg10[%swap3A] {strides = array<i32>} : memref<80xf32, #tpu.memory_space<vmem>>, vector<16xf32>,
    %swap3A_11 = vector.shape_cast %swap3A_10 : vector<16xf32> to vector<16xf32>
    %swap3A_12 = vector.shape_cast %broadcast_in_dim3A_3 : vector<16xf32> to vector<16xf32>
    tpu.vector_store %arg10[%swap3A], %swap3A_12 {strides = array<i32>} : memref<80xf32, #tpu.memory_space<vmem>>, vector<16xf32>,
    %swap3A_13 = arith.constant 16 : index
    %swap3A_14 = tpu.vector_load %arg10[%swap3A_13] {strides = array<i32>} : memref<80xf32, #tpu.memory_space<vmem>>, vector<16xf32>,
    %swap3A_15 = vector.shape_cast %swap3A_14 : vector<16xf32> to vector<16xf32>
    %swap3A_16 = vector.shape_cast %broadcast_in_dim3A_3 : vector<16xf32> to vector<16xf32>
    tpu.vector_store %arg10[%swap3A_13], %swap3A_16 {strides = array<i32>} : memref<80xf32, #tpu.memory_space<vmem>>, vector<16xf32>,
    %swap3A_17 = arith.constant 32 : index
    %swap3A_18 = tpu.vector_load %arg10[%swap3A_17] {strides = array<i32>} : memref<80xf32, #tpu.memory_space<vmem>>, vector<16xf32>,
    %swap3A_19 = vector.shape_cast %swap3A_18 : vector<16xf32> to vector<16xf32>
    %swap3A_20 = vector.shape_cast %broadcast_in_dim3A_3 : vector<16xf32> to vector<16xf32>
    tpu.vector_store %arg10[%swap3A_17], %swap3A_20 {strides = array<i32>} : memref<80xf32, #tpu.memory_space<vmem>>, vector<16xf32>,
    %swap3A_21 = arith.constant 48 : index
    %swap3A_22 = tpu.vector_load %arg10[%swap3A_21] {strides = array<i32>} : memref<80xf32, #tpu.memory_space<vmem>>, vector<16xf32>,
    %swap3A_23 = vector.shape_cast %swap3A_22 : vector<16xf32> to vector<16xf32>
    %swap3A_24 = vector.shape_cast %broadcast_in_dim3A_3 : vector<16xf32> to vector<16xf32>
    tpu.vector_store %arg10[%swap3A_21], %swap3A_24 {strides = array<i32>} : memref<80xf32, #tpu.memory_space<vmem>>, vector<16xf32>,
    %swap3A_25 = arith.constant 64 : index
    %swap3A_26 = tpu.vector_load %arg10[%swap3A_25] {strides = array<i32>} : memref<80xf32, #tpu.memory_space<vmem>>, vector<16xf32>,
    %swap3A_27 = vector.shape_cast %swap3A_26 : vector<16xf32> to vector<16xf32>
    %swap3A_28 = vector.shape_cast %broadcast_in_dim3A_3 : vector<16xf32> to vector<16xf32>
    tpu.vector_store %arg10[%swap3A_25], %swap3A_28 {strides = array<i32>} : memref<80xf32, #tpu.memory_space<vmem>>, vector<16xf32>,
    %scan3A_29 = arith.constant 0 : i32
    %scan3A_30 = arith.constant 0 : i32
    %scan3A_31 = arith.constant 40 : i32
    %scan3A_32 = arith.addi %scan3A_30, %scan3A_31 : i32
    %scan3A_33 = arith.constant 1 : i32
    %scan3A_34 = scf.for %scan3A_248 = %scan3A_30 to %scan3A_32 step %scan3A_33 iter_args(%scan3A_249 = %scan3A_29) -> (i32)  : i32 {
      %mul3A_250 = arith.constant 16 : i32
      %mul3A_251 = arith.muli %scan3A_248, %mul3A_250 : i32
      %swap3A_252 = arith.index_cast %mul3A_251 : i32 to index
      %swap3A_253 = tpu.vector_load %arg11[%swap3A_252] {strides = array<i32>} : memref<640xf32, #tpu.memory_space<vmem>>, vector<16xf32>,
      %swap3A_254 = vector.shape_cast %swap3A_253 : vector<16xf32> to vector<16xf32>
      %swap3A_255 = vector.shape_cast %broadcast_in_dim3A_1 : vector<16xf32> to vector<16xf32>
      tpu.vector_store %arg11[%swap3A_252], %swap3A_255 {strides = array<i32>} : memref<640xf32, #tpu.memory_space<vmem>>, vector<16xf32>,
      %scan3A_256 = arith.constant 0 : i32
      scf.yield %scan3A_256 : i32
    }
    %scan3A_35 = arith.constant 40 : i32
    %mul3A_36 = arith.constant 640 : i32
    %mul3A_37 = arith.muli %arg1, %mul3A_36 : i32
    %add3A_38 = arith.constant 0 : i32
    %add3A_39 = arith.addi %mul3A_37, %add3A_38 : i32
    %run_scoped3A = arith.constant 0 : i32
    "tpu.region"() ({
      %run_scoped3A_248 = tpu.sem_alloc : memref<!tpu.dma_semaphore, #tpu.memory_space<semaphore_mem>>
      %dma_start3A_249 = arith.constant 0 : i32
      %dma_start3A_250 = arith.constant 0 : i32
      %dma_start3A_251 = tpu.memref_slice %arg7[%run_scoped3A, %dma_start3A_249, %dma_start3A_250] : memref<4x80x128xf32, #tpu.memory_space<vmem>> -> memref<1x80x128xf32, #tpu.memory_space<vmem>>
      %dma_start3A_252 = tpu.memref_squeeze %dma_start3A_251 : memref<1x80x128xf32, #tpu.memory_space<vmem>> -> memref<80x128xf32, #tpu.memory_space<vmem>>
      %dma_start3A_253 = arith.constant 0 : i32
      %dma_start3A_254 = tpu.memref_slice %arg12[%add3A_39, %dma_start3A_253] : memref<10240x128xf32, #tpu.memory_space<vmem_shared>> -> memref<80x128xf32, #tpu.memory_space<vmem_shared>>
      %dma_start3A_255 = arith.constant 0 : i32
      %dma_start3A_256 = tpu.memref_slice %arg12[%add3A_39, %dma_start3A_255] : memref<10240x128xf32, #tpu.memory_space<vmem_shared>> -> memref<80x128xf32, #tpu.memory_space<vmem_shared>>
      %dma_start3A_257 = arith.constant 0 : i32
      %dma_start3A_258 = arith.constant 0 : i32
      %dma_start3A_259 = tpu.memref_slice %arg7[%run_scoped3A, %dma_start3A_257, %dma_start3A_258] : memref<4x80x128xf32, #tpu.memory_space<vmem>> -> memref<1x80x128xf32, #tpu.memory_space<vmem>>
      %dma_start3A_260 = tpu.memref_squeeze %dma_start3A_259 : memref<1x80x128xf32, #tpu.memory_space<vmem>> -> memref<80x128xf32, #tpu.memory_space<vmem>>
      tpu.enqueue_dma source(%dma_start3A_260 : memref<80x128xf32, #tpu.memory_space<vmem>>) target(%dma_start3A_256 : memref<80x128xf32, #tpu.memory_space<vmem_shared>>) target_semaphore(%run_scoped3A_248 : memref<!tpu.dma_semaphore, #tpu.memory_space<semaphore_mem>>)
      %dma_wait3A_261 = arith.constant 0 : i32
      %dma_wait3A_262 = arith.constant 0 : i32
      %dma_wait3A_263 = tpu.memref_slice %arg7[%run_scoped3A, %dma_wait3A_261, %dma_wait3A_262] : memref<4x80x128xf32, #tpu.memory_space<vmem>> -> memref<1x80x128xf32, #tpu.memory_space<vmem>>
      %dma_wait3A_264 = tpu.memref_squeeze %dma_wait3A_263 : memref<1x80x128xf32, #tpu.memory_space<vmem>> -> memref<80x128xf32, #tpu.memory_space<vmem>>
      %dma_wait3A_265 = arith.constant 0 : i32
      %dma_wait3A_266 = tpu.memref_slice %arg12[%add3A_39, %dma_wait3A_265] : memref<10240x128xf32, #tpu.memory_space<vmem_shared>> -> memref<80x128xf32, #tpu.memory_space<vmem_shared>>
      %dma_wait3A_267 = arith.constant 0 : i32
      %dma_wait3A_268 = tpu.memref_slice %arg12[%add3A_39, %dma_wait3A_267] : memref<10240x128xf32, #tpu.memory_space<vmem_shared>> -> memref<80x128xf32, #tpu.memory_space<vmem_shared>>
      %dma_wait3A_269 = arith.constant 0 : i32
      %dma_wait3A_270 = arith.constant 0 : i32
      %dma_wait3A_271 = tpu.memref_slice %arg7[%run_scoped3A, %dma_wait3A_269, %dma_wait3A_270] : memref<4x80x128xf32, #tpu.memory_space<vmem>> -> memref<1x80x128xf32, #tpu.memory_space<vmem>>
      %dma_wait3A_272 = tpu.memref_squeeze %dma_wait3A_271 : memref<1x80x128xf32, #tpu.memory_space<vmem>> -> memref<80x128xf32, #tpu.memory_space<vmem>>
      tpu.wait_dma2 semaphore(%run_scoped3A_248 : memref<!tpu.dma_semaphore, #tpu.memory_space<semaphore_mem>>) src(%dma_wait3A_272 : memref<80x128xf32, #tpu.memory_space<vmem>>) dst(%dma_wait3A_268 : memref<80x128xf32, #tpu.memory_space<vmem_shared>>)
      tpu.yield
    }) : () -> ()
    %mul3A_40 = arith.constant 640 : i32
    %mul3A_41 = arith.muli %arg1, %mul3A_40 : i32
    %add3A_42 = arith.constant 80 : i32
    %add3A_43 = arith.addi %mul3A_41, %add3A_42 : i32
    %run_scoped3A_44 = arith.constant 0 : i32
    "tpu.region"() ({
      %run_scoped3A_248 = tpu.sem_alloc : memref<!tpu.dma_semaphore, #tpu.memory_space<semaphore_mem>>
      %dma_start3A_249 = arith.constant 0 : i32
      %dma_start3A_250 = arith.constant 0 : i32
      %dma_start3A_251 = tpu.memref_slice %arg7[%run_scoped3A_44, %dma_start3A_249, %dma_start3A_250] : memref<4x80x128xf32, #tpu.memory_space<vmem>> -> memref<1x80x128xf32, #tpu.memory_space<vmem>>
      %dma_start3A_252 = tpu.memref_squeeze %dma_start3A_251 : memref<1x80x128xf32, #tpu.memory_space<vmem>> -> memref<80x128xf32, #tpu.memory_space<vmem>>
      %dma_start3A_253 = arith.constant 0 : i32
      %dma_start3A_254 = tpu.memref_slice %arg12[%add3A_43, %dma_start3A_253] : memref<10240x128xf32, #tpu.memory_space<vmem_shared>> -> memref<80x128xf32, #tpu.memory_space<vmem_shared>>
      %dma_start3A_255 = arith.constant 0 : i32
      %dma_start3A_256 = tpu.memref_slice %arg12[%add3A_43, %dma_start3A_255] : memref<10240x128xf32, #tpu.memory_space<vmem_shared>> -> memref<80x128xf32, #tpu.memory_space<vmem_shared>>
      %dma_start3A_257 = arith.constant 0 : i32
      %dma_start3A_258 = arith.constant 0 : i32
      %dma_start3A_259 = tpu.memref_slice %arg7[%run_scoped3A_44, %dma_start3A_257, %dma_start3A_258] : memref<4x80x128xf32, #tpu.memory_space<vmem>> -> memref<1x80x128xf32, #tpu.memory_space<vmem>>
      %dma_start3A_260 = tpu.memref_squeeze %dma_start3A_259 : memref<1x80x128xf32, #tpu.memory_space<vmem>> -> memref<80x128xf32, #tpu.memory_space<vmem>>
      tpu.enqueue_dma source(%dma_start3A_260 : memref<80x128xf32, #tpu.memory_space<vmem>>) target(%dma_start3A_256 : memref<80x128xf32, #tpu.memory_space<vmem_shared>>) target_semaphore(%run_scoped3A_248 : memref<!tpu.dma_semaphore, #tpu.memory_space<semaphore_mem>>)
      %dma_wait3A_261 = arith.constant 0 : i32
      %dma_wait3A_262 = arith.constant 0 : i32
      %dma_wait3A_263 = tpu.memref_slice %arg7[%run_scoped3A_44, %dma_wait3A_261, %dma_wait3A_262] : memref<4x80x128xf32, #tpu.memory_space<vmem>> -> memref<1x80x128xf32, #tpu.memory_space<vmem>>
      %dma_wait3A_264 = tpu.memref_squeeze %dma_wait3A_263 : memref<1x80x128xf32, #tpu.memory_space<vmem>> -> memref<80x128xf32, #tpu.memory_space<vmem>>
      %dma_wait3A_265 = arith.constant 0 : i32
      %dma_wait3A_266 = tpu.memref_slice %arg12[%add3A_43, %dma_wait3A_265] : memref<10240x128xf32, #tpu.memory_space<vmem_shared>> -> memref<80x128xf32, #tpu.memory_space<vmem_shared>>
      %dma_wait3A_267 = arith.constant 0 : i32
      %dma_wait3A_268 = tpu.memref_slice %arg12[%add3A_43, %dma_wait3A_267] : memref<10240x128xf32, #tpu.memory_space<vmem_shared>> -> memref<80x128xf32, #tpu.memory_space<vmem_shared>>
      %dma_wait3A_269 = arith.constant 0 : i32
      %dma_wait3A_270 = arith.constant 0 : i32
      %dma_wait3A_271 = tpu.memref_slice %arg7[%run_scoped3A_44, %dma_wait3A_269, %dma_wait3A_270] : memref<4x80x128xf32, #tpu.memory_space<vmem>> -> memref<1x80x128xf32, #tpu.memory_space<vmem>>
      %dma_wait3A_272 = tpu.memref_squeeze %dma_wait3A_271 : memref<1x80x128xf32, #tpu.memory_space<vmem>> -> memref<80x128xf32, #tpu.memory_space<vmem>>
      tpu.wait_dma2 semaphore(%run_scoped3A_248 : memref<!tpu.dma_semaphore, #tpu.memory_space<semaphore_mem>>) src(%dma_wait3A_272 : memref<80x128xf32, #tpu.memory_space<vmem>>) dst(%dma_wait3A_268 : memref<80x128xf32, #tpu.memory_space<vmem_shared>>)
      tpu.yield
    }) : () -> ()
    %mul3A_45 = arith.constant 640 : i32
    %mul3A_46 = arith.muli %arg1, %mul3A_45 : i32
    %add3A_47 = arith.constant 160 : i32
    %add3A_48 = arith.addi %mul3A_46, %add3A_47 : i32
    %run_scoped3A_49 = arith.constant 0 : i32
    "tpu.region"() ({
      %run_scoped3A_248 = tpu.sem_alloc : memref<!tpu.dma_semaphore, #tpu.memory_space<semaphore_mem>>
      %dma_start3A_249 = arith.constant 0 : i32
      %dma_start3A_250 = arith.constant 0 : i32
      %dma_start3A_251 = tpu.memref_slice %arg7[%run_scoped3A_49, %dma_start3A_249, %dma_start3A_250] : memref<4x80x128xf32, #tpu.memory_space<vmem>> -> memref<1x80x128xf32, #tpu.memory_space<vmem>>
      %dma_start3A_252 = tpu.memref_squeeze %dma_start3A_251 : memref<1x80x128xf32, #tpu.memory_space<vmem>> -> memref<80x128xf32, #tpu.memory_space<vmem>>
      %dma_start3A_253 = arith.constant 0 : i32
      %dma_start3A_254 = tpu.memref_slice %arg12[%add3A_48, %dma_start3A_253] : memref<10240x128xf32, #tpu.memory_space<vmem_shared>> -> memref<80x128xf32, #tpu.memory_space<vmem_shared>>
      %dma_start3A_255 = arith.constant 0 : i32
      %dma_start3A_256 = tpu.memref_slice %arg12[%add3A_48, %dma_start3A_255] : memref<10240x128xf32, #tpu.memory_space<vmem_shared>> -> memref<80x128xf32, #tpu.memory_space<vmem_shared>>
      %dma_start3A_257 = arith.constant 0 : i32
      %dma_start3A_258 = arith.constant 0 : i32
      %dma_start3A_259 = tpu.memref_slice %arg7[%run_scoped3A_49, %dma_start3A_257, %dma_start3A_258] : memref<4x80x128xf32, #tpu.memory_space<vmem>> -> memref<1x80x128xf32, #tpu.memory_space<vmem>>
      %dma_start3A_260 = tpu.memref_squeeze %dma_start3A_259 : memref<1x80x128xf32, #tpu.memory_space<vmem>> -> memref<80x128xf32, #tpu.memory_space<vmem>>
      tpu.enqueue_dma source(%dma_start3A_260 : memref<80x128xf32, #tpu.memory_space<vmem>>) target(%dma_start3A_256 : memref<80x128xf32, #tpu.memory_space<vmem_shared>>) target_semaphore(%run_scoped3A_248 : memref<!tpu.dma_semaphore, #tpu.memory_space<semaphore_mem>>)
      %dma_wait3A_261 = arith.constant 0 : i32
      %dma_wait3A_262 = arith.constant 0 : i32
      %dma_wait3A_263 = tpu.memref_slice %arg7[%run_scoped3A_49, %dma_wait3A_261, %dma_wait3A_262] : memref<4x80x128xf32, #tpu.memory_space<vmem>> -> memref<1x80x128xf32, #tpu.memory_space<vmem>>
      %dma_wait3A_264 = tpu.memref_squeeze %dma_wait3A_263 : memref<1x80x128xf32, #tpu.memory_space<vmem>> -> memref<80x128xf32, #tpu.memory_space<vmem>>
      %dma_wait3A_265 = arith.constant 0 : i32
      %dma_wait3A_266 = tpu.memref_slice %arg12[%add3A_48, %dma_wait3A_265] : memref<10240x128xf32, #tpu.memory_space<vmem_shared>> -> memref<80x128xf32, #tpu.memory_space<vmem_shared>>
      %dma_wait3A_267 = arith.constant 0 : i32
      %dma_wait3A_268 = tpu.memref_slice %arg12[%add3A_48, %dma_wait3A_267] : memref<10240x128xf32, #tpu.memory_space<vmem_shared>> -> memref<80x128xf32, #tpu.memory_space<vmem_shared>>
      %dma_wait3A_269 = arith.constant 0 : i32
      %dma_wait3A_270 = arith.constant 0 : i32
      %dma_wait3A_271 = tpu.memref_slice %arg7[%run_scoped3A_49, %dma_wait3A_269, %dma_wait3A_270] : memref<4x80x128xf32, #tpu.memory_space<vmem>> -> memref<1x80x128xf32, #tpu.memory_space<vmem>>
      %dma_wait3A_272 = tpu.memref_squeeze %dma_wait3A_271 : memref<1x80x128xf32, #tpu.memory_space<vmem>> -> memref<80x128xf32, #tpu.memory_space<vmem>>
      tpu.wait_dma2 semaphore(%run_scoped3A_248 : memref<!tpu.dma_semaphore, #tpu.memory_space<semaphore_mem>>) src(%dma_wait3A_272 : memref<80x128xf32, #tpu.memory_space<vmem>>) dst(%dma_wait3A_268 : memref<80x128xf32, #tpu.memory_space<vmem_shared>>)
      tpu.yield
    }) : () -> ()
    %mul3A_50 = arith.constant 640 : i32
    %mul3A_51 = arith.muli %arg1, %mul3A_50 : i32
    %add3A_52 = arith.constant 240 : i32
    %add3A_53 = arith.addi %mul3A_51, %add3A_52 : i32
    %run_scoped3A_54 = arith.constant 0 : i32
    "tpu.region"() ({
      %run_scoped3A_248 = tpu.sem_alloc : memref<!tpu.dma_semaphore, #tpu.memory_space<semaphore_mem>>
      %dma_start3A_249 = arith.constant 0 : i32
      %dma_start3A_250 = arith.constant 0 : i32
      %dma_start3A_251 = tpu.memref_slice %arg7[%run_scoped3A_54, %dma_start3A_249, %dma_start3A_250] : memref<4x80x128xf32, #tpu.memory_space<vmem>> -> memref<1x80x128xf32, #tpu.memory_space<vmem>>
      %dma_start3A_252 = tpu.memref_squeeze %dma_start3A_251 : memref<1x80x128xf32, #tpu.memory_space<vmem>> -> memref<80x128xf32, #tpu.memory_space<vmem>>
      %dma_start3A_253 = arith.constant 0 : i32
      %dma_start3A_254 = tpu.memref_slice %arg12[%add3A_53, %dma_start3A_253] : memref<10240x128xf32, #tpu.memory_space<vmem_shared>> -> memref<80x128xf32, #tpu.memory_space<vmem_shared>>
      %dma_start3A_255 = arith.constant 0 : i32
      %dma_start3A_256 = tpu.memref_slice %arg12[%add3A_53, %dma_start3A_255] : memref<10240x128xf32, #tpu.memory_space<vmem_shared>> -> memref<80x128xf32, #tpu.memory_space<vmem_shared>>
      %dma_start3A_257 = arith.constant 0 : i32
      %dma_start3A_258 = arith.constant 0 : i32
      %dma_start3A_259 = tpu.memref_slice %arg7[%run_scoped3A_54, %dma_start3A_257, %dma_start3A_258] : memref<4x80x128xf32, #tpu.memory_space<vmem>> -> memref<1x80x128xf32, #tpu.memory_space<vmem>>
      %dma_start3A_260 = tpu.memref_squeeze %dma_start3A_259 : memref<1x80x128xf32, #tpu.memory_space<vmem>> -> memref<80x128xf32, #tpu.memory_space<vmem>>
      tpu.enqueue_dma source(%dma_start3A_260 : memref<80x128xf32, #tpu.memory_space<vmem>>) target(%dma_start3A_256 : memref<80x128xf32, #tpu.memory_space<vmem_shared>>) target_semaphore(%run_scoped3A_248 : memref<!tpu.dma_semaphore, #tpu.memory_space<semaphore_mem>>)
      %dma_wait3A_261 = arith.constant 0 : i32
      %dma_wait3A_262 = arith.constant 0 : i32
      %dma_wait3A_263 = tpu.memref_slice %arg7[%run_scoped3A_54, %dma_wait3A_261, %dma_wait3A_262] : memref<4x80x128xf32, #tpu.memory_space<vmem>> -> memref<1x80x128xf32, #tpu.memory_space<vmem>>
      %dma_wait3A_264 = tpu.memref_squeeze %dma_wait3A_263 : memref<1x80x128xf32, #tpu.memory_space<vmem>> -> memref<80x128xf32, #tpu.memory_space<vmem>>
      %dma_wait3A_265 = arith.constant 0 : i32
      %dma_wait3A_266 = tpu.memref_slice %arg12[%add3A_53, %dma_wait3A_265] : memref<10240x128xf32, #tpu.memory_space<vmem_shared>> -> memref<80x128xf32, #tpu.memory_space<vmem_shared>>
      %dma_wait3A_267 = arith.constant 0 : i32
      %dma_wait3A_268 = tpu.memref_slice %arg12[%add3A_53, %dma_wait3A_267] : memref<10240x128xf32, #tpu.memory_space<vmem_shared>> -> memref<80x128xf32, #tpu.memory_space<vmem_shared>>
      %dma_wait3A_269 = arith.constant 0 : i32
      %dma_wait3A_270 = arith.constant 0 : i32
      %dma_wait3A_271 = tpu.memref_slice %arg7[%run_scoped3A_54, %dma_wait3A_269, %dma_wait3A_270] : memref<4x80x128xf32, #tpu.memory_space<vmem>> -> memref<1x80x128xf32, #tpu.memory_space<vmem>>
      %dma_wait3A_272 = tpu.memref_squeeze %dma_wait3A_271 : memref<1x80x128xf32, #tpu.memory_space<vmem>> -> memref<80x128xf32, #tpu.memory_space<vmem>>
      tpu.wait_dma2 semaphore(%run_scoped3A_248 : memref<!tpu.dma_semaphore, #tpu.memory_space<semaphore_mem>>) src(%dma_wait3A_272 : memref<80x128xf32, #tpu.memory_space<vmem>>) dst(%dma_wait3A_268 : memref<80x128xf32, #tpu.memory_space<vmem_shared>>)
      tpu.yield
    }) : () -> ()
    %mul3A_55 = arith.constant 640 : i32
    %mul3A_56 = arith.muli %arg1, %mul3A_55 : i32
    %add3A_57 = arith.constant 320 : i32
    %add3A_58 = arith.addi %mul3A_56, %add3A_57 : i32
    %run_scoped3A_59 = arith.constant 0 : i32
    "tpu.region"() ({
      %run_scoped3A_248 = tpu.sem_alloc : memref<!tpu.dma_semaphore, #tpu.memory_space<semaphore_mem>>
      %dma_start3A_249 = arith.constant 0 : i32
      %dma_start3A_250 = arith.constant 0 : i32
      %dma_start3A_251 = tpu.memref_slice %arg7[%run_scoped3A_59, %dma_start3A_249, %dma_start3A_250] : memref<4x80x128xf32, #tpu.memory_space<vmem>> -> memref<1x80x128xf32, #tpu.memory_space<vmem>>
      %dma_start3A_252 = tpu.memref_squeeze %dma_start3A_251 : memref<1x80x128xf32, #tpu.memory_space<vmem>> -> memref<80x128xf32, #tpu.memory_space<vmem>>
      %dma_start3A_253 = arith.constant 0 : i32
      %dma_start3A_254 = tpu.memref_slice %arg12[%add3A_58, %dma_start3A_253] : memref<10240x128xf32, #tpu.memory_space<vmem_shared>> -> memref<80x128xf32, #tpu.memory_space<vmem_shared>>
      %dma_start3A_255 = arith.constant 0 : i32
      %dma_start3A_256 = tpu.memref_slice %arg12[%add3A_58, %dma_start3A_255] : memref<10240x128xf32, #tpu.memory_space<vmem_shared>> -> memref<80x128xf32, #tpu.memory_space<vmem_shared>>
      %dma_start3A_257 = arith.constant 0 : i32
      %dma_start3A_258 = arith.constant 0 : i32
      %dma_start3A_259 = tpu.memref_slice %arg7[%run_scoped3A_59, %dma_start3A_257, %dma_start3A_258] : memref<4x80x128xf32, #tpu.memory_space<vmem>> -> memref<1x80x128xf32, #tpu.memory_space<vmem>>
      %dma_start3A_260 = tpu.memref_squeeze %dma_start3A_259 : memref<1x80x128xf32, #tpu.memory_space<vmem>> -> memref<80x128xf32, #tpu.memory_space<vmem>>
      tpu.enqueue_dma source(%dma_start3A_260 : memref<80x128xf32, #tpu.memory_space<vmem>>) target(%dma_start3A_256 : memref<80x128xf32, #tpu.memory_space<vmem_shared>>) target_semaphore(%run_scoped3A_248 : memref<!tpu.dma_semaphore, #tpu.memory_space<semaphore_mem>>)
      %dma_wait3A_261 = arith.constant 0 : i32
      %dma_wait3A_262 = arith.constant 0 : i32
      %dma_wait3A_263 = tpu.memref_slice %arg7[%run_scoped3A_59, %dma_wait3A_261, %dma_wait3A_262] : memref<4x80x128xf32, #tpu.memory_space<vmem>> -> memref<1x80x128xf32, #tpu.memory_space<vmem>>
      %dma_wait3A_264 = tpu.memref_squeeze %dma_wait3A_263 : memref<1x80x128xf32, #tpu.memory_space<vmem>> -> memref<80x128xf32, #tpu.memory_space<vmem>>
      %dma_wait3A_265 = arith.constant 0 : i32
      %dma_wait3A_266 = tpu.memref_slice %arg12[%add3A_58, %dma_wait3A_265] : memref<10240x128xf32, #tpu.memory_space<vmem_shared>> -> memref<80x128xf32, #tpu.memory_space<vmem_shared>>
      %dma_wait3A_267 = arith.constant 0 : i32
      %dma_wait3A_268 = tpu.memref_slice %arg12[%add3A_58, %dma_wait3A_267] : memref<10240x128xf32, #tpu.memory_space<vmem_shared>> -> memref<80x128xf32, #tpu.memory_space<vmem_shared>>
      %dma_wait3A_269 = arith.constant 0 : i32
      %dma_wait3A_270 = arith.constant 0 : i32
      %dma_wait3A_271 = tpu.memref_slice %arg7[%run_scoped3A_59, %dma_wait3A_269, %dma_wait3A_270] : memref<4x80x128xf32, #tpu.memory_space<vmem>> -> memref<1x80x128xf32, #tpu.memory_space<vmem>>
      %dma_wait3A_272 = tpu.memref_squeeze %dma_wait3A_271 : memref<1x80x128xf32, #tpu.memory_space<vmem>> -> memref<80x128xf32, #tpu.memory_space<vmem>>
      tpu.wait_dma2 semaphore(%run_scoped3A_248 : memref<!tpu.dma_semaphore, #tpu.memory_space<semaphore_mem>>) src(%dma_wait3A_272 : memref<80x128xf32, #tpu.memory_space<vmem>>) dst(%dma_wait3A_268 : memref<80x128xf32, #tpu.memory_space<vmem_shared>>)
      tpu.yield
    }) : () -> ()
    %mul3A_60 = arith.constant 640 : i32
    %mul3A_61 = arith.muli %arg1, %mul3A_60 : i32
    %add3A_62 = arith.constant 400 : i32
    %add3A_63 = arith.addi %mul3A_61, %add3A_62 : i32
    %run_scoped3A_64 = arith.constant 0 : i32
    "tpu.region"() ({
      %run_scoped3A_248 = tpu.sem_alloc : memref<!tpu.dma_semaphore, #tpu.memory_space<semaphore_mem>>
      %dma_start3A_249 = arith.constant 0 : i32
      %dma_start3A_250 = arith.constant 0 : i32
      %dma_start3A_251 = tpu.memref_slice %arg7[%run_scoped3A_64, %dma_start3A_249, %dma_start3A_250] : memref<4x80x128xf32, #tpu.memory_space<vmem>> -> memref<1x80x128xf32, #tpu.memory_space<vmem>>
      %dma_start3A_252 = tpu.memref_squeeze %dma_start3A_251 : memref<1x80x128xf32, #tpu.memory_space<vmem>> -> memref<80x128xf32, #tpu.memory_space<vmem>>
      %dma_start3A_253 = arith.constant 0 : i32
      %dma_start3A_254 = tpu.memref_slice %arg12[%add3A_63, %dma_start3A_253] : memref<10240x128xf32, #tpu.memory_space<vmem_shared>> -> memref<80x128xf32, #tpu.memory_space<vmem_shared>>
      %dma_start3A_255 = arith.constant 0 : i32
      %dma_start3A_256 = tpu.memref_slice %arg12[%add3A_63, %dma_start3A_255] : memref<10240x128xf32, #tpu.memory_space<vmem_shared>> -> memref<80x128xf32, #tpu.memory_space<vmem_shared>>
      %dma_start3A_257 = arith.constant 0 : i32
      %dma_start3A_258 = arith.constant 0 : i32
      %dma_start3A_259 = tpu.memref_slice %arg7[%run_scoped3A_64, %dma_start3A_257, %dma_start3A_258] : memref<4x80x128xf32, #tpu.memory_space<vmem>> -> memref<1x80x128xf32, #tpu.memory_space<vmem>>
      %dma_start3A_260 = tpu.memref_squeeze %dma_start3A_259 : memref<1x80x128xf32, #tpu.memory_space<vmem>> -> memref<80x128xf32, #tpu.memory_space<vmem>>
      tpu.enqueue_dma source(%dma_start3A_260 : memref<80x128xf32, #tpu.memory_space<vmem>>) target(%dma_start3A_256 : memref<80x128xf32, #tpu.memory_space<vmem_shared>>) target_semaphore(%run_scoped3A_248 : memref<!tpu.dma_semaphore, #tpu.memory_space<semaphore_mem>>)
      %dma_wait3A_261 = arith.constant 0 : i32
      %dma_wait3A_262 = arith.constant 0 : i32
      %dma_wait3A_263 = tpu.memref_slice %arg7[%run_scoped3A_64, %dma_wait3A_261, %dma_wait3A_262] : memref<4x80x128xf32, #tpu.memory_space<vmem>> -> memref<1x80x128xf32, #tpu.memory_space<vmem>>
      %dma_wait3A_264 = tpu.memref_squeeze %dma_wait3A_263 : memref<1x80x128xf32, #tpu.memory_space<vmem>> -> memref<80x128xf32, #tpu.memory_space<vmem>>
      %dma_wait3A_265 = arith.constant 0 : i32
      %dma_wait3A_266 = tpu.memref_slice %arg12[%add3A_63, %dma_wait3A_265] : memref<10240x128xf32, #tpu.memory_space<vmem_shared>> -> memref<80x128xf32, #tpu.memory_space<vmem_shared>>
      %dma_wait3A_267 = arith.constant 0 : i32
      %dma_wait3A_268 = tpu.memref_slice %arg12[%add3A_63, %dma_wait3A_267] : memref<10240x128xf32, #tpu.memory_space<vmem_shared>> -> memref<80x128xf32, #tpu.memory_space<vmem_shared>>
      %dma_wait3A_269 = arith.constant 0 : i32
      %dma_wait3A_270 = arith.constant 0 : i32
      %dma_wait3A_271 = tpu.memref_slice %arg7[%run_scoped3A_64, %dma_wait3A_269, %dma_wait3A_270] : memref<4x80x128xf32, #tpu.memory_space<vmem>> -> memref<1x80x128xf32, #tpu.memory_space<vmem>>
      %dma_wait3A_272 = tpu.memref_squeeze %dma_wait3A_271 : memref<1x80x128xf32, #tpu.memory_space<vmem>> -> memref<80x128xf32, #tpu.memory_space<vmem>>
      tpu.wait_dma2 semaphore(%run_scoped3A_248 : memref<!tpu.dma_semaphore, #tpu.memory_space<semaphore_mem>>) src(%dma_wait3A_272 : memref<80x128xf32, #tpu.memory_space<vmem>>) dst(%dma_wait3A_268 : memref<80x128xf32, #tpu.memory_space<vmem_shared>>)
      tpu.yield
    }) : () -> ()
    %mul3A_65 = arith.constant 640 : i32
    %mul3A_66 = arith.muli %arg1, %mul3A_65 : i32
    %add3A_67 = arith.constant 480 : i32
    %add3A_68 = arith.addi %mul3A_66, %add3A_67 : i32
    %run_scoped3A_69 = arith.constant 0 : i32
    "tpu.region"() ({
      %run_scoped3A_248 = tpu.sem_alloc : memref<!tpu.dma_semaphore, #tpu.memory_space<semaphore_mem>>
      %dma_start3A_249 = arith.constant 0 : i32
      %dma_start3A_250 = arith.constant 0 : i32
      %dma_start3A_251 = tpu.memref_slice %arg7[%run_scoped3A_69, %dma_start3A_249, %dma_start3A_250] : memref<4x80x128xf32, #tpu.memory_space<vmem>> -> memref<1x80x128xf32, #tpu.memory_space<vmem>>
      %dma_start3A_252 = tpu.memref_squeeze %dma_start3A_251 : memref<1x80x128xf32, #tpu.memory_space<vmem>> -> memref<80x128xf32, #tpu.memory_space<vmem>>
      %dma_start3A_253 = arith.constant 0 : i32
      %dma_start3A_254 = tpu.memref_slice %arg12[%add3A_68, %dma_start3A_253] : memref<10240x128xf32, #tpu.memory_space<vmem_shared>> -> memref<80x128xf32, #tpu.memory_space<vmem_shared>>
      %dma_start3A_255 = arith.constant 0 : i32
      %dma_start3A_256 = tpu.memref_slice %arg12[%add3A_68, %dma_start3A_255] : memref<10240x128xf32, #tpu.memory_space<vmem_shared>> -> memref<80x128xf32, #tpu.memory_space<vmem_shared>>
      %dma_start3A_257 = arith.constant 0 : i32
      %dma_start3A_258 = arith.constant 0 : i32
      %dma_start3A_259 = tpu.memref_slice %arg7[%run_scoped3A_69, %dma_start3A_257, %dma_start3A_258] : memref<4x80x128xf32, #tpu.memory_space<vmem>> -> memref<1x80x128xf32, #tpu.memory_space<vmem>>
      %dma_start3A_260 = tpu.memref_squeeze %dma_start3A_259 : memref<1x80x128xf32, #tpu.memory_space<vmem>> -> memref<80x128xf32, #tpu.memory_space<vmem>>
      tpu.enqueue_dma source(%dma_start3A_260 : memref<80x128xf32, #tpu.memory_space<vmem>>) target(%dma_start3A_256 : memref<80x128xf32, #tpu.memory_space<vmem_shared>>) target_semaphore(%run_scoped3A_248 : memref<!tpu.dma_semaphore, #tpu.memory_space<semaphore_mem>>)
      %dma_wait3A_261 = arith.constant 0 : i32
      %dma_wait3A_262 = arith.constant 0 : i32
      %dma_wait3A_263 = tpu.memref_slice %arg7[%run_scoped3A_69, %dma_wait3A_261, %dma_wait3A_262] : memref<4x80x128xf32, #tpu.memory_space<vmem>> -> memref<1x80x128xf32, #tpu.memory_space<vmem>>
      %dma_wait3A_264 = tpu.memref_squeeze %dma_wait3A_263 : memref<1x80x128xf32, #tpu.memory_space<vmem>> -> memref<80x128xf32, #tpu.memory_space<vmem>>
      %dma_wait3A_265 = arith.constant 0 : i32
      %dma_wait3A_266 = tpu.memref_slice %arg12[%add3A_68, %dma_wait3A_265] : memref<10240x128xf32, #tpu.memory_space<vmem_shared>> -> memref<80x128xf32, #tpu.memory_space<vmem_shared>>
      %dma_wait3A_267 = arith.constant 0 : i32
      %dma_wait3A_268 = tpu.memref_slice %arg12[%add3A_68, %dma_wait3A_267] : memref<10240x128xf32, #tpu.memory_space<vmem_shared>> -> memref<80x128xf32, #tpu.memory_space<vmem_shared>>
      %dma_wait3A_269 = arith.constant 0 : i32
      %dma_wait3A_270 = arith.constant 0 : i32
      %dma_wait3A_271 = tpu.memref_slice %arg7[%run_scoped3A_69, %dma_wait3A_269, %dma_wait3A_270] : memref<4x80x128xf32, #tpu.memory_space<vmem>> -> memref<1x80x128xf32, #tpu.memory_space<vmem>>
      %dma_wait3A_272 = tpu.memref_squeeze %dma_wait3A_271 : memref<1x80x128xf32, #tpu.memory_space<vmem>> -> memref<80x128xf32, #tpu.memory_space<vmem>>
      tpu.wait_dma2 semaphore(%run_scoped3A_248 : memref<!tpu.dma_semaphore, #tpu.memory_space<semaphore_mem>>) src(%dma_wait3A_272 : memref<80x128xf32, #tpu.memory_space<vmem>>) dst(%dma_wait3A_268 : memref<80x128xf32, #tpu.memory_space<vmem_shared>>)
      tpu.yield
    }) : () -> ()
    %mul3A_70 = arith.constant 640 : i32
    %mul3A_71 = arith.muli %arg1, %mul3A_70 : i32
    %add3A_72 = arith.constant 560 : i32
    %add3A_73 = arith.addi %mul3A_71, %add3A_72 : i32
    %run_scoped3A_74 = arith.constant 0 : i32
    "tpu.region"() ({
      %run_scoped3A_248 = tpu.sem_alloc : memref<!tpu.dma_semaphore, #tpu.memory_space<semaphore_mem>>
      %dma_start3A_249 = arith.constant 0 : i32
      %dma_start3A_250 = arith.constant 0 : i32
      %dma_start3A_251 = tpu.memref_slice %arg7[%run_scoped3A_74, %dma_start3A_249, %dma_start3A_250] : memref<4x80x128xf32, #tpu.memory_space<vmem>> -> memref<1x80x128xf32, #tpu.memory_space<vmem>>
      %dma_start3A_252 = tpu.memref_squeeze %dma_start3A_251 : memref<1x80x128xf32, #tpu.memory_space<vmem>> -> memref<80x128xf32, #tpu.memory_space<vmem>>
      %dma_start3A_253 = arith.constant 0 : i32
      %dma_start3A_254 = tpu.memref_slice %arg12[%add3A_73, %dma_start3A_253] : memref<10240x128xf32, #tpu.memory_space<vmem_shared>> -> memref<80x128xf32, #tpu.memory_space<vmem_shared>>
      %dma_start3A_255 = arith.constant 0 : i32
      %dma_start3A_256 = tpu.memref_slice %arg12[%add3A_73, %dma_start3A_255] : memref<10240x128xf32, #tpu.memory_space<vmem_shared>> -> memref<80x128xf32, #tpu.memory_space<vmem_shared>>
      %dma_start3A_257 = arith.constant 0 : i32
      %dma_start3A_258 = arith.constant 0 : i32
      %dma_start3A_259 = tpu.memref_slice %arg7[%run_scoped3A_74, %dma_start3A_257, %dma_start3A_258] : memref<4x80x128xf32, #tpu.memory_space<vmem>> -> memref<1x80x128xf32, #tpu.memory_space<vmem>>
      %dma_start3A_260 = tpu.memref_squeeze %dma_start3A_259 : memref<1x80x128xf32, #tpu.memory_space<vmem>> -> memref<80x128xf32, #tpu.memory_space<vmem>>
      tpu.enqueue_dma source(%dma_start3A_260 : memref<80x128xf32, #tpu.memory_space<vmem>>) target(%dma_start3A_256 : memref<80x128xf32, #tpu.memory_space<vmem_shared>>) target_semaphore(%run_scoped3A_248 : memref<!tpu.dma_semaphore, #tpu.memory_space<semaphore_mem>>)
      %dma_wait3A_261 = arith.constant 0 : i32
      %dma_wait3A_262 = arith.constant 0 : i32
      %dma_wait3A_263 = tpu.memref_slice %arg7[%run_scoped3A_74, %dma_wait3A_261, %dma_wait3A_262] : memref<4x80x128xf32, #tpu.memory_space<vmem>> -> memref<1x80x128xf32, #tpu.memory_space<vmem>>
      %dma_wait3A_264 = tpu.memref_squeeze %dma_wait3A_263 : memref<1x80x128xf32, #tpu.memory_space<vmem>> -> memref<80x128xf32, #tpu.memory_space<vmem>>
      %dma_wait3A_265 = arith.constant 0 : i32
      %dma_wait3A_266 = tpu.memref_slice %arg12[%add3A_73, %dma_wait3A_265] : memref<10240x128xf32, #tpu.memory_space<vmem_shared>> -> memref<80x128xf32, #tpu.memory_space<vmem_shared>>
      %dma_wait3A_267 = arith.constant 0 : i32
      %dma_wait3A_268 = tpu.memref_slice %arg12[%add3A_73, %dma_wait3A_267] : memref<10240x128xf32, #tpu.memory_space<vmem_shared>> -> memref<80x128xf32, #tpu.memory_space<vmem_shared>>
      %dma_wait3A_269 = arith.constant 0 : i32
      %dma_wait3A_270 = arith.constant 0 : i32
      %dma_wait3A_271 = tpu.memref_slice %arg7[%run_scoped3A_74, %dma_wait3A_269, %dma_wait3A_270] : memref<4x80x128xf32, #tpu.memory_space<vmem>> -> memref<1x80x128xf32, #tpu.memory_space<vmem>>
      %dma_wait3A_272 = tpu.memref_squeeze %dma_wait3A_271 : memref<1x80x128xf32, #tpu.memory_space<vmem>> -> memref<80x128xf32, #tpu.memory_space<vmem>>
      tpu.wait_dma2 semaphore(%run_scoped3A_248 : memref<!tpu.dma_semaphore, #tpu.memory_space<semaphore_mem>>) src(%dma_wait3A_272 : memref<80x128xf32, #tpu.memory_space<vmem>>) dst(%dma_wait3A_268 : memref<80x128xf32, #tpu.memory_space<vmem_shared>>)
      tpu.yield
    }) : () -> ()
    %mul3A_75 = arith.constant 640 : i32
    %mul3A_76 = arith.muli %arg1, %mul3A_75 : i32
    "tpu.region"() ({
      %run_scoped3A_248 = tpu.sem_alloc : memref<!tpu.dma_semaphore, #tpu.memory_space<semaphore_mem>>
      %dma_start3A_249 = tpu.memref_slice %arg13[%mul3A_76] : memref<10240xf32, #tpu.memory_space<vmem_shared>> -> memref<640xf32, #tpu.memory_space<vmem_shared>>
      %dma_start3A_250 = tpu.memref_slice %arg13[%mul3A_76] : memref<10240xf32, #tpu.memory_space<vmem_shared>> -> memref<640xf32, #tpu.memory_space<vmem_shared>>
      tpu.enqueue_dma source(%arg11 : memref<640xf32, #tpu.memory_space<vmem>>) target(%dma_start3A_250 : memref<640xf32, #tpu.memory_space<vmem_shared>>) target_semaphore(%run_scoped3A_248 : memref<!tpu.dma_semaphore, #tpu.memory_space<semaphore_mem>>)
      %dma_wait3A_251 = tpu.memref_slice %arg13[%mul3A_76] : memref<10240xf32, #tpu.memory_space<vmem_shared>> -> memref<640xf32, #tpu.memory_space<vmem_shared>>
      %dma_wait3A_252 = tpu.memref_slice %arg13[%mul3A_76] : memref<10240xf32, #tpu.memory_space<vmem_shared>> -> memref<640xf32, #tpu.memory_space<vmem_shared>>
      tpu.wait_dma2 semaphore(%run_scoped3A_248 : memref<!tpu.dma_semaphore, #tpu.memory_space<semaphore_mem>>) src(%arg11 : memref<640xf32, #tpu.memory_space<vmem>>) dst(%dma_wait3A_252 : memref<640xf32, #tpu.memory_space<vmem_shared>>)
      tpu.yield
    }) : () -> ()
    %barrier3A = arith.constant 0 : index
    tpu.barrier barrier_id(%barrier3A)
    %mul3A_77 = arith.constant 125 : i32
    %mul3A_78 = arith.muli %add3A, %mul3A_77 : i32
    %mul3A_79 = arith.constant 80 : i32
    %mul3A_80 = arith.muli %mul3A_78, %mul3A_79 : i32
    %add3A_81 = arith.constant 0 : i32
    %add3A_82 = arith.addi %mul3A_80, %add3A_81 : i32
    %dma_start3A = arith.constant 0 : i32
    %dma_start3A_83 = tpu.memref_slice %arg8[%dma_start3A] : memref<320xi32, #tpu.memory_space<vmem>> -> memref<80xi32, #tpu.memory_space<vmem>>
    %dma_start3A_84 = tpu.memref_slice %arg3[%add3A_82] : memref<320000xi32, #tpu.memory_space<hbm>> -> memref<80xi32, #tpu.memory_space<hbm>>
    %dma_start3A_85 = arith.constant 0 : i32
    %dma_start3A_86 = tpu.memref_slice %arg8[%dma_start3A_85] : memref<320xi32, #tpu.memory_space<vmem>> -> memref<80xi32, #tpu.memory_space<vmem>>
    %dma_start3A_87 = tpu.memref_slice %arg3[%add3A_82] : memref<320000xi32, #tpu.memory_space<hbm>> -> memref<80xi32, #tpu.memory_space<hbm>>
    tpu.enqueue_dma source(%dma_start3A_87 : memref<80xi32, #tpu.memory_space<hbm>>) target(%dma_start3A_86 : memref<80xi32, #tpu.memory_space<vmem>>) target_semaphore(%arg18 : memref<!tpu.dma_semaphore, #tpu.memory_space<semaphore_mem>>)
    %add3A_88 = arith.constant 0 : i32
    %add3A_89 = arith.addi %mul3A_80, %add3A_88 : i32
    %dma_start3A_90 = arith.constant 0 : i32
    %dma_start3A_91 = tpu.memref_slice %arg9[%dma_start3A_90] : memref<320xi32, #tpu.memory_space<vmem>> -> memref<80xi32, #tpu.memory_space<vmem>>
    %dma_start3A_92 = tpu.memref_slice %arg4[%add3A_89] : memref<320000xi32, #tpu.memory_space<hbm>> -> memref<80xi32, #tpu.memory_space<hbm>>
    %dma_start3A_93 = arith.constant 0 : i32
    %dma_start3A_94 = tpu.memref_slice %arg9[%dma_start3A_93] : memref<320xi32, #tpu.memory_space<vmem>> -> memref<80xi32, #tpu.memory_space<vmem>>
    %dma_start3A_95 = tpu.memref_slice %arg4[%add3A_89] : memref<320000xi32, #tpu.memory_space<hbm>> -> memref<80xi32, #tpu.memory_space<hbm>>
    tpu.enqueue_dma source(%dma_start3A_95 : memref<80xi32, #tpu.memory_space<hbm>>) target(%dma_start3A_94 : memref<80xi32, #tpu.memory_space<vmem>>) target_semaphore(%arg18 : memref<!tpu.dma_semaphore, #tpu.memory_space<semaphore_mem>>)
    %add3A_96 = arith.constant 80 : i32
    %add3A_97 = arith.addi %mul3A_80, %add3A_96 : i32
    %dma_start3A_98 = arith.constant 80 : i32
    %dma_start3A_99 = tpu.memref_slice %arg8[%dma_start3A_98] : memref<320xi32, #tpu.memory_space<vmem>> -> memref<80xi32, #tpu.memory_space<vmem>>
    %dma_start3A_100 = tpu.memref_slice %arg3[%add3A_97] : memref<320000xi32, #tpu.memory_space<hbm>> -> memref<80xi32, #tpu.memory_space<hbm>>
    %dma_start3A_101 = arith.constant 80 : i32
    %dma_start3A_102 = tpu.memref_slice %arg8[%dma_start3A_101] : memref<320xi32, #tpu.memory_space<vmem>> -> memref<80xi32, #tpu.memory_space<vmem>>
    %dma_start3A_103 = tpu.memref_slice %arg3[%add3A_97] : memref<320000xi32, #tpu.memory_space<hbm>> -> memref<80xi32, #tpu.memory_space<hbm>>
    tpu.enqueue_dma source(%dma_start3A_103 : memref<80xi32, #tpu.memory_space<hbm>>) target(%dma_start3A_102 : memref<80xi32, #tpu.memory_space<vmem>>) target_semaphore(%arg19 : memref<!tpu.dma_semaphore, #tpu.memory_space<semaphore_mem>>)
    %add3A_104 = arith.constant 80 : i32
    %add3A_105 = arith.addi %mul3A_80, %add3A_104 : i32
    %dma_start3A_106 = arith.constant 80 : i32
    %dma_start3A_107 = tpu.memref_slice %arg9[%dma_start3A_106] : memref<320xi32, #tpu.memory_space<vmem>> -> memref<80xi32, #tpu.memory_space<vmem>>
    %dma_start3A_108 = tpu.memref_slice %arg4[%add3A_105] : memref<320000xi32, #tpu.memory_space<hbm>> -> memref<80xi32, #tpu.memory_space<hbm>>
    %dma_start3A_109 = arith.constant 80 : i32
    %dma_start3A_110 = tpu.memref_slice %arg9[%dma_start3A_109] : memref<320xi32, #tpu.memory_space<vmem>> -> memref<80xi32, #tpu.memory_space<vmem>>
    %dma_start3A_111 = tpu.memref_slice %arg4[%add3A_105] : memref<320000xi32, #tpu.memory_space<hbm>> -> memref<80xi32, #tpu.memory_space<hbm>>
    tpu.enqueue_dma source(%dma_start3A_111 : memref<80xi32, #tpu.memory_space<hbm>>) target(%dma_start3A_110 : memref<80xi32, #tpu.memory_space<vmem>>) target_semaphore(%arg19 : memref<!tpu.dma_semaphore, #tpu.memory_space<semaphore_mem>>)
    %add3A_112 = arith.constant 160 : i32
    %add3A_113 = arith.addi %mul3A_80, %add3A_112 : i32
    %dma_start3A_114 = arith.constant 160 : i32
    %dma_start3A_115 = tpu.memref_slice %arg8[%dma_start3A_114] : memref<320xi32, #tpu.memory_space<vmem>> -> memref<80xi32, #tpu.memory_space<vmem>>
    %dma_start3A_116 = tpu.memref_slice %arg3[%add3A_113] : memref<320000xi32, #tpu.memory_space<hbm>> -> memref<80xi32, #tpu.memory_space<hbm>>
    %dma_start3A_117 = arith.constant 160 : i32
    %dma_start3A_118 = tpu.memref_slice %arg8[%dma_start3A_117] : memref<320xi32, #tpu.memory_space<vmem>> -> memref<80xi32, #tpu.memory_space<vmem>>
    %dma_start3A_119 = tpu.memref_slice %arg3[%add3A_113] : memref<320000xi32, #tpu.memory_space<hbm>> -> memref<80xi32, #tpu.memory_space<hbm>>
    tpu.enqueue_dma source(%dma_start3A_119 : memref<80xi32, #tpu.memory_space<hbm>>) target(%dma_start3A_118 : memref<80xi32, #tpu.memory_space<vmem>>) target_semaphore(%arg20 : memref<!tpu.dma_semaphore, #tpu.memory_space<semaphore_mem>>)
    %add3A_120 = arith.constant 160 : i32
    %add3A_121 = arith.addi %mul3A_80, %add3A_120 : i32
    %dma_start3A_122 = arith.constant 160 : i32
    %dma_start3A_123 = tpu.memref_slice %arg9[%dma_start3A_122] : memref<320xi32, #tpu.memory_space<vmem>> -> memref<80xi32, #tpu.memory_space<vmem>>
    %dma_start3A_124 = tpu.memref_slice %arg4[%add3A_121] : memref<320000xi32, #tpu.memory_space<hbm>> -> memref<80xi32, #tpu.memory_space<hbm>>
    %dma_start3A_125 = arith.constant 160 : i32
    %dma_start3A_126 = tpu.memref_slice %arg9[%dma_start3A_125] : memref<320xi32, #tpu.memory_space<vmem>> -> memref<80xi32, #tpu.memory_space<vmem>>
    %dma_start3A_127 = tpu.memref_slice %arg4[%add3A_121] : memref<320000xi32, #tpu.memory_space<hbm>> -> memref<80xi32, #tpu.memory_space<hbm>>
    tpu.enqueue_dma source(%dma_start3A_127 : memref<80xi32, #tpu.memory_space<hbm>>) target(%dma_start3A_126 : memref<80xi32, #tpu.memory_space<vmem>>) target_semaphore(%arg20 : memref<!tpu.dma_semaphore, #tpu.memory_space<semaphore_mem>>)
    %add3A_128 = arith.constant 240 : i32
    %add3A_129 = arith.addi %mul3A_80, %add3A_128 : i32
    %dma_start3A_130 = arith.constant 240 : i32
    %dma_start3A_131 = tpu.memref_slice %arg8[%dma_start3A_130] : memref<320xi32, #tpu.memory_space<vmem>> -> memref<80xi32, #tpu.memory_space<vmem>>
    %dma_start3A_132 = tpu.memref_slice %arg3[%add3A_129] : memref<320000xi32, #tpu.memory_space<hbm>> -> memref<80xi32, #tpu.memory_space<hbm>>
    %dma_start3A_133 = arith.constant 240 : i32
    %dma_start3A_134 = tpu.memref_slice %arg8[%dma_start3A_133] : memref<320xi32, #tpu.memory_space<vmem>> -> memref<80xi32, #tpu.memory_space<vmem>>
    %dma_start3A_135 = tpu.memref_slice %arg3[%add3A_129] : memref<320000xi32, #tpu.memory_space<hbm>> -> memref<80xi32, #tpu.memory_space<hbm>>
    tpu.enqueue_dma source(%dma_start3A_135 : memref<80xi32, #tpu.memory_space<hbm>>) target(%dma_start3A_134 : memref<80xi32, #tpu.memory_space<vmem>>) target_semaphore(%arg21 : memref<!tpu.dma_semaphore, #tpu.memory_space<semaphore_mem>>)
    %add3A_136 = arith.constant 240 : i32
    %add3A_137 = arith.addi %mul3A_80, %add3A_136 : i32
    %dma_start3A_138 = arith.constant 240 : i32
    %dma_start3A_139 = tpu.memref_slice %arg9[%dma_start3A_138] : memref<320xi32, #tpu.memory_space<vmem>> -> memref<80xi32, #tpu.memory_space<vmem>>
    %dma_start3A_140 = tpu.memref_slice %arg4[%add3A_137] : memref<320000xi32, #tpu.memory_space<hbm>> -> memref<80xi32, #tpu.memory_space<hbm>>
    %dma_start3A_141 = arith.constant 240 : i32
    %dma_start3A_142 = tpu.memref_slice %arg9[%dma_start3A_141] : memref<320xi32, #tpu.memory_space<vmem>> -> memref<80xi32, #tpu.memory_space<vmem>>
    %dma_start3A_143 = tpu.memref_slice %arg4[%add3A_137] : memref<320000xi32, #tpu.memory_space<hbm>> -> memref<80xi32, #tpu.memory_space<hbm>>
    tpu.enqueue_dma source(%dma_start3A_143 : memref<80xi32, #tpu.memory_space<hbm>>) target(%dma_start3A_142 : memref<80xi32, #tpu.memory_space<vmem>>) target_semaphore(%arg21 : memref<!tpu.dma_semaphore, #tpu.memory_space<semaphore_mem>>)
    %dma_wait3A = arith.constant 0 : i32
    %dma_wait3A_144 = tpu.memref_slice %arg8[%dma_wait3A] : memref<320xi32, #tpu.memory_space<vmem>> -> memref<80xi32, #tpu.memory_space<vmem>>
    %dma_wait3A_145 = arith.constant 0 : i32
    %dma_wait3A_146 = tpu.memref_slice %arg3[%dma_wait3A_145] : memref<320000xi32, #tpu.memory_space<hbm>> -> memref<80xi32, #tpu.memory_space<hbm>>
    %dma_wait3A_147 = arith.constant 0 : i32
    %dma_wait3A_148 = tpu.memref_slice %arg8[%dma_wait3A_147] : memref<320xi32, #tpu.memory_space<vmem>> -> memref<80xi32, #tpu.memory_space<vmem>>
    %dma_wait3A_149 = arith.constant 0 : i32
    %dma_wait3A_150 = tpu.memref_slice %arg3[%dma_wait3A_149] : memref<320000xi32, #tpu.memory_space<hbm>> -> memref<80xi32, #tpu.memory_space<hbm>>
    tpu.wait_dma2 semaphore(%arg18 : memref<!tpu.dma_semaphore, #tpu.memory_space<semaphore_mem>>) src(%dma_wait3A_150 : memref<80xi32, #tpu.memory_space<hbm>>) dst(%dma_wait3A_148 : memref<80xi32, #tpu.memory_space<vmem>>)
    %dma_wait3A_151 = arith.constant 0 : i32
    %dma_wait3A_152 = tpu.memref_slice %arg9[%dma_wait3A_151] : memref<320xi32, #tpu.memory_space<vmem>> -> memref<80xi32, #tpu.memory_space<vmem>>
    %dma_wait3A_153 = arith.constant 0 : i32
    %dma_wait3A_154 = tpu.memref_slice %arg4[%dma_wait3A_153] : memref<320000xi32, #tpu.memory_space<hbm>> -> memref<80xi32, #tpu.memory_space<hbm>>
    %dma_wait3A_155 = arith.constant 0 : i32
    %dma_wait3A_156 = tpu.memref_slice %arg9[%dma_wait3A_155] : memref<320xi32, #tpu.memory_space<vmem>> -> memref<80xi32, #tpu.memory_space<vmem>>
    %dma_wait3A_157 = arith.constant 0 : i32
    %dma_wait3A_158 = tpu.memref_slice %arg4[%dma_wait3A_157] : memref<320000xi32, #tpu.memory_space<hbm>> -> memref<80xi32, #tpu.memory_space<hbm>>
    tpu.wait_dma2 semaphore(%arg18 : memref<!tpu.dma_semaphore, #tpu.memory_space<semaphore_mem>>) src(%dma_wait3A_158 : memref<80xi32, #tpu.memory_space<hbm>>) dst(%dma_wait3A_156 : memref<80xi32, #tpu.memory_space<vmem>>)
    %dma_start3A_159 = arith.constant 0 : i32
    %dma_start3A_160 = arith.constant 0 : i32
    %dma_start3A_161 = arith.constant 0 : i32
    %dma_start3A_162 = tpu.memref_slice %arg7[%dma_start3A_159, %dma_start3A_160, %dma_start3A_161] : memref<4x80x128xf32, #tpu.memory_space<vmem>> -> memref<1x80x128xf32, #tpu.memory_space<vmem>>
    %dma_start3A_163 = tpu.memref_squeeze %dma_start3A_162 : memref<1x80x128xf32, #tpu.memory_space<vmem>> -> memref<80x128xf32, #tpu.memory_space<vmem>>
    %dma_start3A_164 = arith.constant 0 : i32
    %dma_start3A_165 = tpu.memref_slice %arg8[%dma_start3A_164] : memref<320xi32, #tpu.memory_space<vmem>> -> memref<80xi32, #tpu.memory_space<vmem>>
    %dma_start3A_166 = arith.constant 0 : i32
    %dma_start3A_167 = arith.constant 0 : i32
    %dma_start3A_168 = tpu.memref_slice %arg2[%dma_start3A_166, %dma_start3A_167] : memref<10000x128xf32, #tpu.memory_space<hbm>> -> memref<10000x128xf32, #tpu.memory_space<hbm>>
    tpu.enqueue_indirect_dma source(%dma_start3A_168 : memref<10000x128xf32, #tpu.memory_space<hbm>>) target(%dma_start3A_163 : memref<80x128xf32, #tpu.memory_space<vmem>>) offsets(%dma_start3A_165 : memref<80xi32, #tpu.memory_space<vmem>>) semaphore(%arg14 : memref<!tpu.dma_semaphore, #tpu.memory_space<semaphore_mem>>)
    %dma_wait3A_169 = arith.constant 80 : i32
    %dma_wait3A_170 = tpu.memref_slice %arg8[%dma_wait3A_169] : memref<320xi32, #tpu.memory_space<vmem>> -> memref<80xi32, #tpu.memory_space<vmem>>
    %dma_wait3A_171 = arith.constant 0 : i32
    %dma_wait3A_172 = tpu.memref_slice %arg3[%dma_wait3A_171] : memref<320000xi32, #tpu.memory_space<hbm>> -> memref<80xi32, #tpu.memory_space<hbm>>
    %dma_wait3A_173 = arith.constant 80 : i32
    %dma_wait3A_174 = tpu.memref_slice %arg8[%dma_wait3A_173] : memref<320xi32, #tpu.memory_space<vmem>> -> memref<80xi32, #tpu.memory_space<vmem>>
    %dma_wait3A_175 = arith.constant 0 : i32
    %dma_wait3A_176 = tpu.memref_slice %arg3[%dma_wait3A_175] : memref<320000xi32, #tpu.memory_space<hbm>> -> memref<80xi32, #tpu.memory_space<hbm>>
    tpu.wait_dma2 semaphore(%arg19 : memref<!tpu.dma_semaphore, #tpu.memory_space<semaphore_mem>>) src(%dma_wait3A_176 : memref<80xi32, #tpu.memory_space<hbm>>) dst(%dma_wait3A_174 : memref<80xi32, #tpu.memory_space<vmem>>)
    %dma_wait3A_177 = arith.constant 80 : i32
    %dma_wait3A_178 = tpu.memref_slice %arg9[%dma_wait3A_177] : memref<320xi32, #tpu.memory_space<vmem>> -> memref<80xi32, #tpu.memory_space<vmem>>
    %dma_wait3A_179 = arith.constant 0 : i32
    %dma_wait3A_180 = tpu.memref_slice %arg4[%dma_wait3A_179] : memref<320000xi32, #tpu.memory_space<hbm>> -> memref<80xi32, #tpu.memory_space<hbm>>
    %dma_wait3A_181 = arith.constant 80 : i32
    %dma_wait3A_182 = tpu.memref_slice %arg9[%dma_wait3A_181] : memref<320xi32, #tpu.memory_space<vmem>> -> memref<80xi32, #tpu.memory_space<vmem>>
    %dma_wait3A_183 = arith.constant 0 : i32
    %dma_wait3A_184 = tpu.memref_slice %arg4[%dma_wait3A_183] : memref<320000xi32, #tpu.memory_space<hbm>> -> memref<80xi32, #tpu.memory_space<hbm>>
    tpu.wait_dma2 semaphore(%arg19 : memref<!tpu.dma_semaphore, #tpu.memory_space<semaphore_mem>>) src(%dma_wait3A_184 : memref<80xi32, #tpu.memory_space<hbm>>) dst(%dma_wait3A_182 : memref<80xi32, #tpu.memory_space<vmem>>)
    %dma_start3A_185 = arith.constant 1 : i32
    %dma_start3A_186 = arith.constant 0 : i32
    %dma_start3A_187 = arith.constant 0 : i32
    %dma_start3A_188 = tpu.memref_slice %arg7[%dma_start3A_185, %dma_start3A_186, %dma_start3A_187] : memref<4x80x128xf32, #tpu.memory_space<vmem>> -> memref<1x80x128xf32, #tpu.memory_space<vmem>>
    %dma_start3A_189 = tpu.memref_squeeze %dma_start3A_188 : memref<1x80x128xf32, #tpu.memory_space<vmem>> -> memref<80x128xf32, #tpu.memory_space<vmem>>
    %dma_start3A_190 = arith.constant 80 : i32
    %dma_start3A_191 = tpu.memref_slice %arg8[%dma_start3A_190] : memref<320xi32, #tpu.memory_space<vmem>> -> memref<80xi32, #tpu.memory_space<vmem>>
    %dma_start3A_192 = arith.constant 0 : i32
    %dma_start3A_193 = arith.constant 0 : i32
    %dma_start3A_194 = tpu.memref_slice %arg2[%dma_start3A_192, %dma_start3A_193] : memref<10000x128xf32, #tpu.memory_space<hbm>> -> memref<10000x128xf32, #tpu.memory_space<hbm>>
    tpu.enqueue_indirect_dma source(%dma_start3A_194 : memref<10000x128xf32, #tpu.memory_space<hbm>>) target(%dma_start3A_189 : memref<80x128xf32, #tpu.memory_space<vmem>>) offsets(%dma_start3A_191 : memref<80xi32, #tpu.memory_space<vmem>>) semaphore(%arg15 : memref<!tpu.dma_semaphore, #tpu.memory_space<semaphore_mem>>)
    %scan3A_195 = arith.constant 0 : i32
    %scan3A_196 = arith.constant 0 : i32
    %scan3A_197 = arith.constant 31 : i32
    %scan3A_198 = arith.addi %scan3A_196, %scan3A_197 : i32
    %scan3A_199 = arith.constant 1 : i32
    %scan3A_200 = scf.for %scan3A_248 = %scan3A_196 to %scan3A_198 step %scan3A_199 iter_args(%scan3A_249 = %scan3A_195) -> (i32)  : i32 {
      %mul3A_250 = arith.constant 4 : i32
      %mul3A_251 = arith.muli %mul3A_250, %scan3A_248 : i32
      %add3A_252 = arith.constant 0 : i32
      %add3A_253 = arith.addi %mul3A_251, %add3A_252 : i32
      %dma_wait3A_254 = arith.constant 160 : i32
      %dma_wait3A_255 = tpu.memref_slice %arg8[%dma_wait3A_254] : memref<320xi32, #tpu.memory_space<vmem>> -> memref<80xi32, #tpu.memory_space<vmem>>
      %dma_wait3A_256 = arith.constant 0 : i32
      %dma_wait3A_257 = tpu.memref_slice %arg3[%dma_wait3A_256] : memref<320000xi32, #tpu.memory_space<hbm>> -> memref<80xi32, #tpu.memory_space<hbm>>
      %dma_wait3A_258 = arith.constant 160 : i32
      %dma_wait3A_259 = tpu.memref_slice %arg8[%dma_wait3A_258] : memref<320xi32, #tpu.memory_space<vmem>> -> memref<80xi32, #tpu.memory_space<vmem>>
      %dma_wait3A_260 = arith.constant 0 : i32
      %dma_wait3A_261 = tpu.memref_slice %arg3[%dma_wait3A_260] : memref<320000xi32, #tpu.memory_space<hbm>> -> memref<80xi32, #tpu.memory_space<hbm>>
      tpu.wait_dma2 semaphore(%arg20 : memref<!tpu.dma_semaphore, #tpu.memory_space<semaphore_mem>>) src(%dma_wait3A_261 : memref<80xi32, #tpu.memory_space<hbm>>) dst(%dma_wait3A_259 : memref<80xi32, #tpu.memory_space<vmem>>)
      %dma_wait3A_262 = arith.constant 160 : i32
      %dma_wait3A_263 = tpu.memref_slice %arg9[%dma_wait3A_262] : memref<320xi32, #tpu.memory_space<vmem>> -> memref<80xi32, #tpu.memory_space<vmem>>
      %dma_wait3A_264 = arith.constant 0 : i32
      %dma_wait3A_265 = tpu.memref_slice %arg4[%dma_wait3A_264] : memref<320000xi32, #tpu.memory_space<hbm>> -> memref<80xi32, #tpu.memory_space<hbm>>
      %dma_wait3A_266 = arith.constant 160 : i32
      %dma_wait3A_267 = tpu.memref_slice %arg9[%dma_wait3A_266] : memref<320xi32, #tpu.memory_space<vmem>> -> memref<80xi32, #tpu.memory_space<vmem>>
      %dma_wait3A_268 = arith.constant 0 : i32
      %dma_wait3A_269 = tpu.memref_slice %arg4[%dma_wait3A_268] : memref<320000xi32, #tpu.memory_space<hbm>> -> memref<80xi32, #tpu.memory_space<hbm>>
      tpu.wait_dma2 semaphore(%arg20 : memref<!tpu.dma_semaphore, #tpu.memory_space<semaphore_mem>>) src(%dma_wait3A_269 : memref<80xi32, #tpu.memory_space<hbm>>) dst(%dma_wait3A_267 : memref<80xi32, #tpu.memory_space<vmem>>)
      %dma_start3A_270 = arith.constant 2 : i32
      %dma_start3A_271 = arith.constant 0 : i32
      %dma_start3A_272 = arith.constant 0 : i32
      %dma_start3A_273 = tpu.memref_slice %arg7[%dma_start3A_270, %dma_start3A_271, %dma_start3A_272] : memref<4x80x128xf32, #tpu.memory_space<vmem>> -> memref<1x80x128xf32, #tpu.memory_space<vmem>>
      %dma_start3A_274 = tpu.memref_squeeze %dma_start3A_273 : memref<1x80x128xf32, #tpu.memory_space<vmem>> -> memref<80x128xf32, #tpu.memory_space<vmem>>
      %dma_start3A_275 = arith.constant 160 : i32
      %dma_start3A_276 = tpu.memref_slice %arg8[%dma_start3A_275] : memref<320xi32, #tpu.memory_space<vmem>> -> memref<80xi32, #tpu.memory_space<vmem>>
      %dma_start3A_277 = arith.constant 0 : i32
      %dma_start3A_278 = arith.constant 0 : i32
      %dma_start3A_279 = tpu.memref_slice %arg2[%dma_start3A_277, %dma_start3A_278] : memref<10000x128xf32, #tpu.memory_space<hbm>> -> memref<10000x128xf32, #tpu.memory_space<hbm>>
      tpu.enqueue_indirect_dma source(%dma_start3A_279 : memref<10000x128xf32, #tpu.memory_space<hbm>>) target(%dma_start3A_274 : memref<80x128xf32, #tpu.memory_space<vmem>>) offsets(%dma_start3A_276 : memref<80xi32, #tpu.memory_space<vmem>>) semaphore(%arg16 : memref<!tpu.dma_semaphore, #tpu.memory_space<semaphore_mem>>)
      %dma_wait3A_280 = arith.constant 0 : i32
      %dma_wait3A_281 = arith.constant 0 : i32
      %dma_wait3A_282 = arith.constant 0 : i32
      %dma_wait3A_283 = tpu.memref_slice %arg7[%dma_wait3A_280, %dma_wait3A_281, %dma_wait3A_282] : memref<4x80x128xf32, #tpu.memory_space<vmem>> -> memref<1x80x128xf32, #tpu.memory_space<vmem>>
      %dma_wait3A_284 = tpu.memref_squeeze %dma_wait3A_283 : memref<1x80x128xf32, #tpu.memory_space<vmem>> -> memref<80x128xf32, #tpu.memory_space<vmem>>
      %dma_wait3A_285 = arith.constant 0 : i32
      %dma_wait3A_286 = tpu.memref_slice %arg8[%dma_wait3A_285] : memref<320xi32, #tpu.memory_space<vmem>> -> memref<80xi32, #tpu.memory_space<vmem>>
      %dma_wait3A_287 = arith.constant 0 : i32
      %dma_wait3A_288 = arith.constant 0 : i32
      %dma_wait3A_289 = tpu.memref_slice %arg2[%dma_wait3A_287, %dma_wait3A_288] : memref<10000x128xf32, #tpu.memory_space<hbm>> -> memref<10000x128xf32, #tpu.memory_space<hbm>>
      tpu.wait_indirect_dma semaphore(%arg14 : memref<!tpu.dma_semaphore, #tpu.memory_space<semaphore_mem>>) src(%dma_wait3A_289 : memref<10000x128xf32, #tpu.memory_space<hbm>>) dst(%dma_wait3A_284 : memref<80x128xf32, #tpu.memory_space<vmem>>)
      %run_scoped3A_290 = arith.constant 0 : i32
      "tpu.region"() ({
        %run_scoped3A_405 = tpu.sem_alloc : memref<!tpu.dma_semaphore, #tpu.memory_space<semaphore_mem>>
        %dma_start3A_406 = arith.constant 0 : i32
        %dma_start3A_407 = arith.constant 0 : i32
        %dma_start3A_408 = tpu.memref_slice %arg7[%run_scoped3A_290, %dma_start3A_406, %dma_start3A_407] : memref<4x80x128xf32, #tpu.memory_space<vmem>> -> memref<1x80x128xf32, #tpu.memory_space<vmem>>
        %dma_start3A_409 = tpu.memref_squeeze %dma_start3A_408 : memref<1x80x128xf32, #tpu.memory_space<vmem>> -> memref<80x128xf32, #tpu.memory_space<vmem>>
        %dma_start3A_410 = arith.constant 0 : i32
        %dma_start3A_411 = tpu.memref_slice %arg9[%dma_start3A_410] : memref<320xi32, #tpu.memory_space<vmem>> -> memref<80xi32, #tpu.memory_space<vmem>>
        %dma_start3A_412 = arith.constant 0 : i32
        %dma_start3A_413 = arith.constant 0 : i32
        %dma_start3A_414 = tpu.memref_slice %arg12[%dma_start3A_412, %dma_start3A_413] : memref<10240x128xf32, #tpu.memory_space<vmem_shared>> -> memref<10240x128xf32, #tpu.memory_space<vmem_shared>>
        tpu.enqueue_indirect_dma source(%dma_start3A_409 : memref<80x128xf32, #tpu.memory_space<vmem>>) target(%dma_start3A_414 : memref<10240x128xf32, #tpu.memory_space<vmem_shared>>) offsets(%dma_start3A_411 : memref<80xi32, #tpu.memory_space<vmem>>) semaphore(%run_scoped3A_405 : memref<!tpu.dma_semaphore, #tpu.memory_space<semaphore_mem>>) {add = true}
        %dma_wait3A_415 = arith.constant 0 : i32
        %dma_wait3A_416 = arith.constant 0 : i32
        %dma_wait3A_417 = tpu.memref_slice %arg7[%run_scoped3A_290, %dma_wait3A_415, %dma_wait3A_416] : memref<4x80x128xf32, #tpu.memory_space<vmem>> -> memref<1x80x128xf32, #tpu.memory_space<vmem>>
        %dma_wait3A_418 = tpu.memref_squeeze %dma_wait3A_417 : memref<1x80x128xf32, #tpu.memory_space<vmem>> -> memref<80x128xf32, #tpu.memory_space<vmem>>
        %dma_wait3A_419 = arith.constant 0 : i32
        %dma_wait3A_420 = tpu.memref_slice %arg9[%dma_wait3A_419] : memref<320xi32, #tpu.memory_space<vmem>> -> memref<80xi32, #tpu.memory_space<vmem>>
        %dma_wait3A_421 = arith.constant 0 : i32
        %dma_wait3A_422 = arith.constant 0 : i32
        %dma_wait3A_423 = tpu.memref_slice %arg12[%dma_wait3A_421, %dma_wait3A_422] : memref<10240x128xf32, #tpu.memory_space<vmem_shared>> -> memref<10240x128xf32, #tpu.memory_space<vmem_shared>>
        tpu.wait_indirect_dma semaphore(%run_scoped3A_405 : memref<!tpu.dma_semaphore, #tpu.memory_space<semaphore_mem>>) src(%dma_wait3A_418 : memref<80x128xf32, #tpu.memory_space<vmem>>) dst(%dma_wait3A_423 : memref<10240x128xf32, #tpu.memory_space<vmem_shared>>)
        tpu.yield
      }) : () -> ()
      "tpu.region"() ({
        %run_scoped3A_405 = tpu.sem_alloc : memref<!tpu.dma_semaphore, #tpu.memory_space<semaphore_mem>>
        %dma_start3A_406 = arith.constant 0 : i32
        %dma_start3A_407 = tpu.memref_slice %arg9[%dma_start3A_406] : memref<320xi32, #tpu.memory_space<vmem>> -> memref<80xi32, #tpu.memory_space<vmem>>
        %dma_start3A_408 = arith.constant 0 : i32
        %dma_start3A_409 = tpu.memref_slice %arg13[%dma_start3A_408] : memref<10240xf32, #tpu.memory_space<vmem_shared>> -> memref<10240xf32, #tpu.memory_space<vmem_shared>>
        tpu.enqueue_indirect_dma source(%arg10 : memref<80xf32, #tpu.memory_space<vmem>>) target(%dma_start3A_409 : memref<10240xf32, #tpu.memory_space<vmem_shared>>) offsets(%dma_start3A_407 : memref<80xi32, #tpu.memory_space<vmem>>) semaphore(%run_scoped3A_405 : memref<!tpu.dma_semaphore, #tpu.memory_space<semaphore_mem>>) {add = true}
        %dma_wait3A_410 = arith.constant 0 : i32
        %dma_wait3A_411 = tpu.memref_slice %arg9[%dma_wait3A_410] : memref<320xi32, #tpu.memory_space<vmem>> -> memref<80xi32, #tpu.memory_space<vmem>>
        %dma_wait3A_412 = arith.constant 0 : i32
        %dma_wait3A_413 = tpu.memref_slice %arg13[%dma_wait3A_412] : memref<10240xf32, #tpu.memory_space<vmem_shared>> -> memref<10240xf32, #tpu.memory_space<vmem_shared>>
        tpu.wait_indirect_dma semaphore(%run_scoped3A_405 : memref<!tpu.dma_semaphore, #tpu.memory_space<semaphore_mem>>) src(%arg10 : memref<80xf32, #tpu.memory_space<vmem>>) dst(%dma_wait3A_413 : memref<10240xf32, #tpu.memory_space<vmem_shared>>)
        tpu.yield
      }) : () -> ()
      %add3A_291 = arith.constant 4 : i32
      %add3A_292 = arith.addi %add3A_253, %add3A_291 : i32
      %mul3A_293 = arith.constant 80 : i32
      %mul3A_294 = arith.muli %add3A_292, %mul3A_293 : i32
      %add3A_295 = arith.addi %mul3A_80, %mul3A_294 : i32
      %dma_start3A_296 = arith.constant 0 : i32
      %dma_start3A_297 = tpu.memref_slice %arg8[%dma_start3A_296] : memref<320xi32, #tpu.memory_space<vmem>> -> memref<80xi32, #tpu.memory_space<vmem>>
      %dma_start3A_298 = tpu.memref_slice %arg3[%add3A_295] : memref<320000xi32, #tpu.memory_space<hbm>> -> memref<80xi32, #tpu.memory_space<hbm>>
      %dma_start3A_299 = arith.constant 0 : i32
      %dma_start3A_300 = tpu.memref_slice %arg8[%dma_start3A_299] : memref<320xi32, #tpu.memory_space<vmem>> -> memref<80xi32, #tpu.memory_space<vmem>>
      %dma_start3A_301 = tpu.memref_slice %arg3[%add3A_295] : memref<320000xi32, #tpu.memory_space<hbm>> -> memref<80xi32, #tpu.memory_space<hbm>>
      tpu.enqueue_dma source(%dma_start3A_301 : memref<80xi32, #tpu.memory_space<hbm>>) target(%dma_start3A_300 : memref<80xi32, #tpu.memory_space<vmem>>) target_semaphore(%arg18 : memref<!tpu.dma_semaphore, #tpu.memory_space<semaphore_mem>>)
      %mul3A_302 = arith.constant 80 : i32
      %mul3A_303 = arith.muli %add3A_292, %mul3A_302 : i32
      %add3A_304 = arith.addi %mul3A_80, %mul3A_303 : i32
      %dma_start3A_305 = arith.constant 0 : i32
      %dma_start3A_306 = tpu.memref_slice %arg9[%dma_start3A_305] : memref<320xi32, #tpu.memory_space<vmem>> -> memref<80xi32, #tpu.memory_space<vmem>>
      %dma_start3A_307 = tpu.memref_slice %arg4[%add3A_304] : memref<320000xi32, #tpu.memory_space<hbm>> -> memref<80xi32, #tpu.memory_space<hbm>>
      %dma_start3A_308 = arith.constant 0 : i32
      %dma_start3A_309 = tpu.memref_slice %arg9[%dma_start3A_308] : memref<320xi32, #tpu.memory_space<vmem>> -> memref<80xi32, #tpu.memory_space<vmem>>
      %dma_start3A_310 = tpu.memref_slice %arg4[%add3A_304] : memref<320000xi32, #tpu.memory_space<hbm>> -> memref<80xi32, #tpu.memory_space<hbm>>
      tpu.enqueue_dma source(%dma_start3A_310 : memref<80xi32, #tpu.memory_space<hbm>>) target(%dma_start3A_309 : memref<80xi32, #tpu.memory_space<vmem>>) target_semaphore(%arg18 : memref<!tpu.dma_semaphore, #tpu.memory_space<semaphore_mem>>)
      %mul3A_311 = arith.constant 4 : i32
      %mul3A_312 = arith.muli %mul3A_311, %scan3A_248 : i32
      %add3A_313 = arith.constant 1 : i32
      %add3A_314 = arith.addi %mul3A_312, %add3A_313 : i32
      %dma_wait3A_315 = arith.constant 240 : i32
      %dma_wait3A_316 = tpu.memref_slice %arg8[%dma_wait3A_315] : memref<320xi32, #tpu.memory_space<vmem>> -> memref<80xi32, #tpu.memory_space<vmem>>
      %dma_wait3A_317 = arith.constant 0 : i32
      %dma_wait3A_318 = tpu.memref_slice %arg3[%dma_wait3A_317] : memref<320000xi32, #tpu.memory_space<hbm>> -> memref<80xi32, #tpu.memory_space<hbm>>
      %dma_wait3A_319 = arith.constant 240 : i32
      %dma_wait3A_320 = tpu.memref_slice %arg8[%dma_wait3A_319] : memref<320xi32, #tpu.memory_space<vmem>> -> memref<80xi32, #tpu.memory_space<vmem>>
      %dma_wait3A_321 = arith.constant 0 : i32
      %dma_wait3A_322 = tpu.memref_slice %arg3[%dma_wait3A_321] : memref<320000xi32, #tpu.memory_space<hbm>> -> memref<80xi32, #tpu.memory_space<hbm>>
      tpu.wait_dma2 semaphore(%arg21 : memref<!tpu.dma_semaphore, #tpu.memory_space<semaphore_mem>>) src(%dma_wait3A_322 : memref<80xi32, #tpu.memory_space<hbm>>) dst(%dma_wait3A_320 : memref<80xi32, #tpu.memory_space<vmem>>)
      %dma_wait3A_323 = arith.constant 240 : i32
      %dma_wait3A_324 = tpu.memref_slice %arg9[%dma_wait3A_323] : memref<320xi32, #tpu.memory_space<vmem>> -> memref<80xi32, #tpu.memory_space<vmem>>
      %dma_wait3A_325 = arith.constant 0 : i32
      %dma_wait3A_326 = tpu.memref_slice %arg4[%dma_wait3A_325] : memref<320000xi32, #tpu.memory_space<hbm>> -> memref<80xi32, #tpu.memory_space<hbm>>
      %dma_wait3A_327 = arith.constant 240 : i32
      %dma_wait3A_328 = tpu.memref_slice %arg9[%dma_wait3A_327] : memref<320xi32, #tpu.memory_space<vmem>> -> memref<80xi32, #tpu.memory_space<vmem>>
      %dma_wait3A_329 = arith.constant 0 : i32
      %dma_wait3A_330 = tpu.memref_slice %arg4[%dma_wait3A_329] : memref<320000xi32, #tpu.memory_space<hbm>> -> memref<80xi32, #tpu.memory_space<hbm>>
      tpu.wait_dma2 semaphore(%arg21 : memref<!tpu.dma_semaphore, #tpu.memory_space<semaphore_mem>>) src(%dma_wait3A_330 : memref<80xi32, #tpu.memory_space<hbm>>) dst(%dma_wait3A_328 : memref<80xi32, #tpu.memory_space<vmem>>)
      %dma_start3A_331 = arith.constant 3 : i32
      %dma_start3A_332 = arith.constant 0 : i32
      %dma_start3A_333 = arith.constant 0 : i32
      %dma_start3A_334 = tpu.memref_slice %arg7[%dma_start3A_331, %dma_start3A_332, %dma_start3A_333] : memref<4x80x128xf32, #tpu.memory_space<vmem>> -> memref<1x80x128xf32, #tpu.memory_space<vmem>>
      %dma_start3A_335 = tpu.memref_squeeze %dma_start3A_334 : memref<1x80x128xf32, #tpu.memory_space<vmem>> -> memref<80x128xf32, #tpu.memory_space<vmem>>
      %dma_start3A_336 = arith.constant 240 : i32
      %dma_start3A_337 = tpu.memref_slice %arg8[%dma_start3A_336] : memref<320xi32, #tpu.memory_space<vmem>> -> memref<80xi32, #tpu.memory_space<vmem>>
      %dma_start3A_338 = arith.constant 0 : i32
      %dma_start3A_339 = arith.constant 0 : i32
      %dma_start3A_340 = tpu.memref_slice %arg2[%dma_start3A_338, %dma_start3A_339] : memref<10000x128xf32, #tpu.memory_space<hbm>> -> memref<10000x128xf32, #tpu.memory_space<hbm>>
      tpu.enqueue_indirect_dma source(%dma_start3A_340 : memref<10000x128xf32, #tpu.memory_space<hbm>>) target(%dma_start3A_335 : memref<80x128xf32, #tpu.memory_space<vmem>>) offsets(%dma_start3A_337 : memref<80xi32, #tpu.memory_space<vmem>>) semaphore(%arg17 : memref<!tpu.dma_semaphore, #tpu.memory_space<semaphore_mem>>)
      %dma_wait3A_341 = arith.constant 1 : i32
      %dma_wait3A_342 = arith.constant 0 : i32
      %dma_wait3A_343 = arith.constant 0 : i32
      %dma_wait3A_344 = tpu.memref_slice %arg7[%dma_wait3A_341, %dma_wait3A_342, %dma_wait3A_343] : memref<4x80x128xf32, #tpu.memory_space<vmem>> -> memref<1x80x128xf32, #tpu.memory_space<vmem>>
      %dma_wait3A_345 = tpu.memref_squeeze %dma_wait3A_344 : memref<1x80x128xf32, #tpu.memory_space<vmem>> -> memref<80x128xf32, #tpu.memory_space<vmem>>
      %dma_wait3A_346 = arith.constant 80 : i32
      %dma_wait3A_347 = tpu.memref_slice %arg8[%dma_wait3A_346] : memref<320xi32, #tpu.memory_space<vmem>> -> memref<80xi32, #tpu.memory_space<vmem>>
      %dma_wait3A_348 = arith.constant 0 : i32
      %dma_wait3A_349 = arith.constant 0 : i32
      %dma_wait3A_350 = tpu.memref_slice %arg2[%dma_wait3A_348, %dma_wait3A_349] : memref<10000x128xf32, #tpu.memory_space<hbm>> -> memref<10000x128xf32, #tpu.memory_space<hbm>>
      tpu.wait_indirect_dma semaphore(%arg15 : memref<!tpu.dma_semaphore, #tpu.memory_space<semaphore_mem>>) src(%dma_wait3A_350 : memref<10000x128xf32, #tpu.memory_space<hbm>>) dst(%dma_wait3A_345 : memref<80x128xf32, #tpu.memory_space<vmem>>)
      %run_scoped3A_351 = arith.constant 1 : i32
      "tpu.region"() ({
        %run_scoped3A_405 = tpu.sem_alloc : memref<!tpu.dma_semaphore, #tpu.memory_space<semaphore_mem>>
        %dma_start3A_406 = arith.constant 0 : i32
        %dma_start3A_407 = arith.constant 0 : i32
        %dma_start3A_408 = tpu.memref_slice %arg7[%run_scoped3A_351, %dma_start3A_406, %dma_start3A_407] : memref<4x80x128xf32, #tpu.memory_space<vmem>> -> memref<1x80x128xf32, #tpu.memory_space<vmem>>
        %dma_start3A_409 = tpu.memref_squeeze %dma_start3A_408 : memref<1x80x128xf32, #tpu.memory_space<vmem>> -> memref<80x128xf32, #tpu.memory_space<vmem>>
        %dma_start3A_410 = arith.constant 80 : i32
        %dma_start3A_411 = tpu.memref_slice %arg9[%dma_start3A_410] : memref<320xi32, #tpu.memory_space<vmem>> -> memref<80xi32, #tpu.memory_space<vmem>>
        %dma_start3A_412 = arith.constant 0 : i32
        %dma_start3A_413 = arith.constant 0 : i32
        %dma_start3A_414 = tpu.memref_slice %arg12[%dma_start3A_412, %dma_start3A_413] : memref<10240x128xf32, #tpu.memory_space<vmem_shared>> -> memref<10240x128xf32, #tpu.memory_space<vmem_shared>>
        tpu.enqueue_indirect_dma source(%dma_start3A_409 : memref<80x128xf32, #tpu.memory_space<vmem>>) target(%dma_start3A_414 : memref<10240x128xf32, #tpu.memory_space<vmem_shared>>) offsets(%dma_start3A_411 : memref<80xi32, #tpu.memory_space<vmem>>) semaphore(%run_scoped3A_405 : memref<!tpu.dma_semaphore, #tpu.memory_space<semaphore_mem>>) {add = true}
        %dma_wait3A_415 = arith.constant 0 : i32
        %dma_wait3A_416 = arith.constant 0 : i32
        %dma_wait3A_417 = tpu.memref_slice %arg7[%run_scoped3A_351, %dma_wait3A_415, %dma_wait3A_416] : memref<4x80x128xf32, #tpu.memory_space<vmem>> -> memref<1x80x128xf32, #tpu.memory_space<vmem>>
        %dma_wait3A_418 = tpu.memref_squeeze %dma_wait3A_417 : memref<1x80x128xf32, #tpu.memory_space<vmem>> -> memref<80x128xf32, #tpu.memory_space<vmem>>
        %dma_wait3A_419 = arith.constant 80 : i32
        %dma_wait3A_420 = tpu.memref_slice %arg9[%dma_wait3A_419] : memref<320xi32, #tpu.memory_space<vmem>> -> memref<80xi32, #tpu.memory_space<vmem>>
        %dma_wait3A_421 = arith.constant 0 : i32
        %dma_wait3A_422 = arith.constant 0 : i32
        %dma_wait3A_423 = tpu.memref_slice %arg12[%dma_wait3A_421, %dma_wait3A_422] : memref<10240x128xf32, #tpu.memory_space<vmem_shared>> -> memref<10240x128xf32, #tpu.memory_space<vmem_shared>>
        tpu.wait_indirect_dma semaphore(%run_scoped3A_405 : memref<!tpu.dma_semaphore, #tpu.memory_space<semaphore_mem>>) src(%dma_wait3A_418 : memref<80x128xf32, #tpu.memory_space<vmem>>) dst(%dma_wait3A_423 : memref<10240x128xf32, #tpu.memory_space<vmem_shared>>)
        tpu.yield
      }) : () -> ()
      "tpu.region"() ({
        %run_scoped3A_405 = tpu.sem_alloc : memref<!tpu.dma_semaphore, #tpu.memory_space<semaphore_mem>>
        %dma_start3A_406 = arith.constant 80 : i32
        %dma_start3A_407 = tpu.memref_slice %arg9[%dma_start3A_406] : memref<320xi32, #tpu.memory_space<vmem>> -> memref<80xi32, #tpu.memory_space<vmem>>
        %dma_start3A_408 = arith.constant 0 : i32
        %dma_start3A_409 = tpu.memref_slice %arg13[%dma_start3A_408] : memref<10240xf32, #tpu.memory_space<vmem_shared>> -> memref<10240xf32, #tpu.memory_space<vmem_shared>>
        tpu.enqueue_indirect_dma source(%arg10 : memref<80xf32, #tpu.memory_space<vmem>>) target(%dma_start3A_409 : memref<10240xf32, #tpu.memory_space<vmem_shared>>) offsets(%dma_start3A_407 : memref<80xi32, #tpu.memory_space<vmem>>) semaphore(%run_scoped3A_405 : memref<!tpu.dma_semaphore, #tpu.memory_space<semaphore_mem>>) {add = true}
        %dma_wait3A_410 = arith.constant 80 : i32
        %dma_wait3A_411 = tpu.memref_slice %arg9[%dma_wait3A_410] : memref<320xi32, #tpu.memory_space<vmem>> -> memref<80xi32, #tpu.memory_space<vmem>>
        %dma_wait3A_412 = arith.constant 0 : i32
        %dma_wait3A_413 = tpu.memref_slice %arg13[%dma_wait3A_412] : memref<10240xf32, #tpu.memory_space<vmem_shared>> -> memref<10240xf32, #tpu.memory_space<vmem_shared>>
        tpu.wait_indirect_dma semaphore(%run_scoped3A_405 : memref<!tpu.dma_semaphore, #tpu.memory_space<semaphore_mem>>) src(%arg10 : memref<80xf32, #tpu.memory_space<vmem>>) dst(%dma_wait3A_413 : memref<10240xf32, #tpu.memory_space<vmem_shared>>)
        tpu.yield
      }) : () -> ()
      %lt3A = arith.constant 30 : i32
      %lt3A_352 = arith.cmpi slt, %scan3A_248, %lt3A : i32
      %convert_element_type3A = arith.extui %lt3A_352 : i1 to i32
      %cond3A = arith.constant 0 : i32
      %cond3A_353 = arith.cmpi ne, %convert_element_type3A, %cond3A : i32
      scf.if %cond3A_353 {
        %add3A_405 = arith.constant 4 : i32
        %add3A_406 = arith.addi %add3A_314, %add3A_405 : i32
        %mul3A_407 = arith.constant 80 : i32
        %mul3A_408 = arith.muli %add3A_406, %mul3A_407 : i32
        %add3A_409 = arith.addi %mul3A_80, %mul3A_408 : i32
        %dma_start3A_410 = arith.constant 80 : i32
        %dma_start3A_411 = tpu.memref_slice %arg8[%dma_start3A_410] : memref<320xi32, #tpu.memory_space<vmem>> -> memref<80xi32, #tpu.memory_space<vmem>>
        %dma_start3A_412 = tpu.memref_slice %arg3[%add3A_409] : memref<320000xi32, #tpu.memory_space<hbm>> -> memref<80xi32, #tpu.memory_space<hbm>>
        %dma_start3A_413 = arith.constant 80 : i32
        %dma_start3A_414 = tpu.memref_slice %arg8[%dma_start3A_413] : memref<320xi32, #tpu.memory_space<vmem>> -> memref<80xi32, #tpu.memory_space<vmem>>
        %dma_start3A_415 = tpu.memref_slice %arg3[%add3A_409] : memref<320000xi32, #tpu.memory_space<hbm>> -> memref<80xi32, #tpu.memory_space<hbm>>
        tpu.enqueue_dma source(%dma_start3A_415 : memref<80xi32, #tpu.memory_space<hbm>>) target(%dma_start3A_414 : memref<80xi32, #tpu.memory_space<vmem>>) target_semaphore(%arg19 : memref<!tpu.dma_semaphore, #tpu.memory_space<semaphore_mem>>)
        %mul3A_416 = arith.constant 80 : i32
        %mul3A_417 = arith.muli %add3A_406, %mul3A_416 : i32
        %add3A_418 = arith.addi %mul3A_80, %mul3A_417 : i32
        %dma_start3A_419 = arith.constant 80 : i32
        %dma_start3A_420 = tpu.memref_slice %arg9[%dma_start3A_419] : memref<320xi32, #tpu.memory_space<vmem>> -> memref<80xi32, #tpu.memory_space<vmem>>
        %dma_start3A_421 = tpu.memref_slice %arg4[%add3A_418] : memref<320000xi32, #tpu.memory_space<hbm>> -> memref<80xi32, #tpu.memory_space<hbm>>
        %dma_start3A_422 = arith.constant 80 : i32
        %dma_start3A_423 = tpu.memref_slice %arg9[%dma_start3A_422] : memref<320xi32, #tpu.memory_space<vmem>> -> memref<80xi32, #tpu.memory_space<vmem>>
        %dma_start3A_424 = tpu.memref_slice %arg4[%add3A_418] : memref<320000xi32, #tpu.memory_space<hbm>> -> memref<80xi32, #tpu.memory_space<hbm>>
        tpu.enqueue_dma source(%dma_start3A_424 : memref<80xi32, #tpu.memory_space<hbm>>) target(%dma_start3A_423 : memref<80xi32, #tpu.memory_space<vmem>>) target_semaphore(%arg19 : memref<!tpu.dma_semaphore, #tpu.memory_space<semaphore_mem>>)
      } else {
      }
      %mul3A_354 = arith.constant 4 : i32
      %mul3A_355 = arith.muli %mul3A_354, %scan3A_248 : i32
      %add3A_356 = arith.constant 2 : i32
      %add3A_357 = arith.addi %mul3A_355, %add3A_356 : i32
      %lt3A_358 = arith.constant 30 : i32
      %lt3A_359 = arith.cmpi slt, %scan3A_248, %lt3A_358 : i32
      %convert_element_type3A_360 = arith.extui %lt3A_359 : i1 to i32
      %cond3A_361 = arith.constant 0 : i32
      %cond3A_362 = arith.cmpi ne, %convert_element_type3A_360, %cond3A_361 : i32
      scf.if %cond3A_362 {
        %dma_wait3A_405 = arith.constant 0 : i32
        %dma_wait3A_406 = tpu.memref_slice %arg8[%dma_wait3A_405] : memref<320xi32, #tpu.memory_space<vmem>> -> memref<80xi32, #tpu.memory_space<vmem>>
        %dma_wait3A_407 = arith.constant 0 : i32
        %dma_wait3A_408 = tpu.memref_slice %arg3[%dma_wait3A_407] : memref<320000xi32, #tpu.memory_space<hbm>> -> memref<80xi32, #tpu.memory_space<hbm>>
        %dma_wait3A_409 = arith.constant 0 : i32
        %dma_wait3A_410 = tpu.memref_slice %arg8[%dma_wait3A_409] : memref<320xi32, #tpu.memory_space<vmem>> -> memref<80xi32, #tpu.memory_space<vmem>>
        %dma_wait3A_411 = arith.constant 0 : i32
        %dma_wait3A_412 = tpu.memref_slice %arg3[%dma_wait3A_411] : memref<320000xi32, #tpu.memory_space<hbm>> -> memref<80xi32, #tpu.memory_space<hbm>>
        tpu.wait_dma2 semaphore(%arg18 : memref<!tpu.dma_semaphore, #tpu.memory_space<semaphore_mem>>) src(%dma_wait3A_412 : memref<80xi32, #tpu.memory_space<hbm>>) dst(%dma_wait3A_410 : memref<80xi32, #tpu.memory_space<vmem>>)
        %dma_wait3A_413 = arith.constant 0 : i32
        %dma_wait3A_414 = tpu.memref_slice %arg9[%dma_wait3A_413] : memref<320xi32, #tpu.memory_space<vmem>> -> memref<80xi32, #tpu.memory_space<vmem>>
        %dma_wait3A_415 = arith.constant 0 : i32
        %dma_wait3A_416 = tpu.memref_slice %arg4[%dma_wait3A_415] : memref<320000xi32, #tpu.memory_space<hbm>> -> memref<80xi32, #tpu.memory_space<hbm>>
        %dma_wait3A_417 = arith.constant 0 : i32
        %dma_wait3A_418 = tpu.memref_slice %arg9[%dma_wait3A_417] : memref<320xi32, #tpu.memory_space<vmem>> -> memref<80xi32, #tpu.memory_space<vmem>>
        %dma_wait3A_419 = arith.constant 0 : i32
        %dma_wait3A_420 = tpu.memref_slice %arg4[%dma_wait3A_419] : memref<320000xi32, #tpu.memory_space<hbm>> -> memref<80xi32, #tpu.memory_space<hbm>>
        tpu.wait_dma2 semaphore(%arg18 : memref<!tpu.dma_semaphore, #tpu.memory_space<semaphore_mem>>) src(%dma_wait3A_420 : memref<80xi32, #tpu.memory_space<hbm>>) dst(%dma_wait3A_418 : memref<80xi32, #tpu.memory_space<vmem>>)
        %dma_start3A_421 = arith.constant 0 : i32
        %dma_start3A_422 = arith.constant 0 : i32
        %dma_start3A_423 = arith.constant 0 : i32
        %dma_start3A_424 = tpu.memref_slice %arg7[%dma_start3A_421, %dma_start3A_422, %dma_start3A_423] : memref<4x80x128xf32, #tpu.memory_space<vmem>> -> memref<1x80x128xf32, #tpu.memory_space<vmem>>
        %dma_start3A_425 = tpu.memref_squeeze %dma_start3A_424 : memref<1x80x128xf32, #tpu.memory_space<vmem>> -> memref<80x128xf32, #tpu.memory_space<vmem>>
        %dma_start3A_426 = arith.constant 0 : i32
        %dma_start3A_427 = tpu.memref_slice %arg8[%dma_start3A_426] : memref<320xi32, #tpu.memory_space<vmem>> -> memref<80xi32, #tpu.memory_space<vmem>>
        %dma_start3A_428 = arith.constant 0 : i32
        %dma_start3A_429 = arith.constant 0 : i32
        %dma_start3A_430 = tpu.memref_slice %arg2[%dma_start3A_428, %dma_start3A_429] : memref<10000x128xf32, #tpu.memory_space<hbm>> -> memref<10000x128xf32, #tpu.memory_space<hbm>>
        tpu.enqueue_indirect_dma source(%dma_start3A_430 : memref<10000x128xf32, #tpu.memory_space<hbm>>) target(%dma_start3A_425 : memref<80x128xf32, #tpu.memory_space<vmem>>) offsets(%dma_start3A_427 : memref<80xi32, #tpu.memory_space<vmem>>) semaphore(%arg14 : memref<!tpu.dma_semaphore, #tpu.memory_space<semaphore_mem>>)
      } else {
      }
      %dma_wait3A_363 = arith.constant 2 : i32
      %dma_wait3A_364 = arith.constant 0 : i32
      %dma_wait3A_365 = arith.constant 0 : i32
      %dma_wait3A_366 = tpu.memref_slice %arg7[%dma_wait3A_363, %dma_wait3A_364, %dma_wait3A_365] : memref<4x80x128xf32, #tpu.memory_space<vmem>> -> memref<1x80x128xf32, #tpu.memory_space<vmem>>
      %dma_wait3A_367 = tpu.memref_squeeze %dma_wait3A_366 : memref<1x80x128xf32, #tpu.memory_space<vmem>> -> memref<80x128xf32, #tpu.memory_space<vmem>>
      %dma_wait3A_368 = arith.constant 160 : i32
      %dma_wait3A_369 = tpu.memref_slice %arg8[%dma_wait3A_368] : memref<320xi32, #tpu.memory_space<vmem>> -> memref<80xi32, #tpu.memory_space<vmem>>
      %dma_wait3A_370 = arith.constant 0 : i32
      %dma_wait3A_371 = arith.constant 0 : i32
      %dma_wait3A_372 = tpu.memref_slice %arg2[%dma_wait3A_370, %dma_wait3A_371] : memref<10000x128xf32, #tpu.memory_space<hbm>> -> memref<10000x128xf32, #tpu.memory_space<hbm>>
      tpu.wait_indirect_dma semaphore(%arg16 : memref<!tpu.dma_semaphore, #tpu.memory_space<semaphore_mem>>) src(%dma_wait3A_372 : memref<10000x128xf32, #tpu.memory_space<hbm>>) dst(%dma_wait3A_367 : memref<80x128xf32, #tpu.memory_space<vmem>>)
      %run_scoped3A_373 = arith.constant 2 : i32
      "tpu.region"() ({
        %run_scoped3A_405 = tpu.sem_alloc : memref<!tpu.dma_semaphore, #tpu.memory_space<semaphore_mem>>
        %dma_start3A_406 = arith.constant 0 : i32
        %dma_start3A_407 = arith.constant 0 : i32
        %dma_start3A_408 = tpu.memref_slice %arg7[%run_scoped3A_373, %dma_start3A_406, %dma_start3A_407] : memref<4x80x128xf32, #tpu.memory_space<vmem>> -> memref<1x80x128xf32, #tpu.memory_space<vmem>>
        %dma_start3A_409 = tpu.memref_squeeze %dma_start3A_408 : memref<1x80x128xf32, #tpu.memory_space<vmem>> -> memref<80x128xf32, #tpu.memory_space<vmem>>
        %dma_start3A_410 = arith.constant 160 : i32
        %dma_start3A_411 = tpu.memref_slice %arg9[%dma_start3A_410] : memref<320xi32, #tpu.memory_space<vmem>> -> memref<80xi32, #tpu.memory_space<vmem>>
        %dma_start3A_412 = arith.constant 0 : i32
        %dma_start3A_413 = arith.constant 0 : i32
        %dma_start3A_414 = tpu.memref_slice %arg12[%dma_start3A_412, %dma_start3A_413] : memref<10240x128xf32, #tpu.memory_space<vmem_shared>> -> memref<10240x128xf32, #tpu.memory_space<vmem_shared>>
        tpu.enqueue_indirect_dma source(%dma_start3A_409 : memref<80x128xf32, #tpu.memory_space<vmem>>) target(%dma_start3A_414 : memref<10240x128xf32, #tpu.memory_space<vmem_shared>>) offsets(%dma_start3A_411 : memref<80xi32, #tpu.memory_space<vmem>>) semaphore(%run_scoped3A_405 : memref<!tpu.dma_semaphore, #tpu.memory_space<semaphore_mem>>) {add = true}
        %dma_wait3A_415 = arith.constant 0 : i32
        %dma_wait3A_416 = arith.constant 0 : i32
        %dma_wait3A_417 = tpu.memref_slice %arg7[%run_scoped3A_373, %dma_wait3A_415, %dma_wait3A_416] : memref<4x80x128xf32, #tpu.memory_space<vmem>> -> memref<1x80x128xf32, #tpu.memory_space<vmem>>
        %dma_wait3A_418 = tpu.memref_squeeze %dma_wait3A_417 : memref<1x80x128xf32, #tpu.memory_space<vmem>> -> memref<80x128xf32, #tpu.memory_space<vmem>>
        %dma_wait3A_419 = arith.constant 160 : i32
        %dma_wait3A_420 = tpu.memref_slice %arg9[%dma_wait3A_419] : memref<320xi32, #tpu.memory_space<vmem>> -> memref<80xi32, #tpu.memory_space<vmem>>
        %dma_wait3A_421 = arith.constant 0 : i32
        %dma_wait3A_422 = arith.constant 0 : i32
        %dma_wait3A_423 = tpu.memref_slice %arg12[%dma_wait3A_421, %dma_wait3A_422] : memref<10240x128xf32, #tpu.memory_space<vmem_shared>> -> memref<10240x128xf32, #tpu.memory_space<vmem_shared>>
        tpu.wait_indirect_dma semaphore(%run_scoped3A_405 : memref<!tpu.dma_semaphore, #tpu.memory_space<semaphore_mem>>) src(%dma_wait3A_418 : memref<80x128xf32, #tpu.memory_space<vmem>>) dst(%dma_wait3A_423 : memref<10240x128xf32, #tpu.memory_space<vmem_shared>>)
        tpu.yield
      }) : () -> ()
      "tpu.region"() ({
        %run_scoped3A_405 = tpu.sem_alloc : memref<!tpu.dma_semaphore, #tpu.memory_space<semaphore_mem>>
        %dma_start3A_406 = arith.constant 160 : i32
        %dma_start3A_407 = tpu.memref_slice %arg9[%dma_start3A_406] : memref<320xi32, #tpu.memory_space<vmem>> -> memref<80xi32, #tpu.memory_space<vmem>>
        %dma_start3A_408 = arith.constant 0 : i32
        %dma_start3A_409 = tpu.memref_slice %arg13[%dma_start3A_408] : memref<10240xf32, #tpu.memory_space<vmem_shared>> -> memref<10240xf32, #tpu.memory_space<vmem_shared>>
        tpu.enqueue_indirect_dma source(%arg10 : memref<80xf32, #tpu.memory_space<vmem>>) target(%dma_start3A_409 : memref<10240xf32, #tpu.memory_space<vmem_shared>>) offsets(%dma_start3A_407 : memref<80xi32, #tpu.memory_space<vmem>>) semaphore(%run_scoped3A_405 : memref<!tpu.dma_semaphore, #tpu.memory_space<semaphore_mem>>) {add = true}
        %dma_wait3A_410 = arith.constant 160 : i32
        %dma_wait3A_411 = tpu.memref_slice %arg9[%dma_wait3A_410] : memref<320xi32, #tpu.memory_space<vmem>> -> memref<80xi32, #tpu.memory_space<vmem>>
        %dma_wait3A_412 = arith.constant 0 : i32
        %dma_wait3A_413 = tpu.memref_slice %arg13[%dma_wait3A_412] : memref<10240xf32, #tpu.memory_space<vmem_shared>> -> memref<10240xf32, #tpu.memory_space<vmem_shared>>
        tpu.wait_indirect_dma semaphore(%run_scoped3A_405 : memref<!tpu.dma_semaphore, #tpu.memory_space<semaphore_mem>>) src(%arg10 : memref<80xf32, #tpu.memory_space<vmem>>) dst(%dma_wait3A_413 : memref<10240xf32, #tpu.memory_space<vmem_shared>>)
        tpu.yield
      }) : () -> ()
      %lt3A_374 = arith.constant 30 : i32
      %lt3A_375 = arith.cmpi slt, %scan3A_248, %lt3A_374 : i32
      %convert_element_type3A_376 = arith.extui %lt3A_375 : i1 to i32
      %cond3A_377 = arith.constant 0 : i32
      %cond3A_378 = arith.cmpi ne, %convert_element_type3A_376, %cond3A_377 : i32
      scf.if %cond3A_378 {
        %add3A_405 = arith.constant 4 : i32
        %add3A_406 = arith.addi %add3A_357, %add3A_405 : i32
        %mul3A_407 = arith.constant 80 : i32
        %mul3A_408 = arith.muli %add3A_406, %mul3A_407 : i32
        %add3A_409 = arith.addi %mul3A_80, %mul3A_408 : i32
        %dma_start3A_410 = arith.constant 160 : i32
        %dma_start3A_411 = tpu.memref_slice %arg8[%dma_start3A_410] : memref<320xi32, #tpu.memory_space<vmem>> -> memref<80xi32, #tpu.memory_space<vmem>>
        %dma_start3A_412 = tpu.memref_slice %arg3[%add3A_409] : memref<320000xi32, #tpu.memory_space<hbm>> -> memref<80xi32, #tpu.memory_space<hbm>>
        %dma_start3A_413 = arith.constant 160 : i32
        %dma_start3A_414 = tpu.memref_slice %arg8[%dma_start3A_413] : memref<320xi32, #tpu.memory_space<vmem>> -> memref<80xi32, #tpu.memory_space<vmem>>
        %dma_start3A_415 = tpu.memref_slice %arg3[%add3A_409] : memref<320000xi32, #tpu.memory_space<hbm>> -> memref<80xi32, #tpu.memory_space<hbm>>
        tpu.enqueue_dma source(%dma_start3A_415 : memref<80xi32, #tpu.memory_space<hbm>>) target(%dma_start3A_414 : memref<80xi32, #tpu.memory_space<vmem>>) target_semaphore(%arg20 : memref<!tpu.dma_semaphore, #tpu.memory_space<semaphore_mem>>)
        %mul3A_416 = arith.constant 80 : i32
        %mul3A_417 = arith.muli %add3A_406, %mul3A_416 : i32
        %add3A_418 = arith.addi %mul3A_80, %mul3A_417 : i32
        %dma_start3A_419 = arith.constant 160 : i32
        %dma_start3A_420 = tpu.memref_slice %arg9[%dma_start3A_419] : memref<320xi32, #tpu.memory_space<vmem>> -> memref<80xi32, #tpu.memory_space<vmem>>
        %dma_start3A_421 = tpu.memref_slice %arg4[%add3A_418] : memref<320000xi32, #tpu.memory_space<hbm>> -> memref<80xi32, #tpu.memory_space<hbm>>
        %dma_start3A_422 = arith.constant 160 : i32
        %dma_start3A_423 = tpu.memref_slice %arg9[%dma_start3A_422] : memref<320xi32, #tpu.memory_space<vmem>> -> memref<80xi32, #tpu.memory_space<vmem>>
        %dma_start3A_424 = tpu.memref_slice %arg4[%add3A_418] : memref<320000xi32, #tpu.memory_space<hbm>> -> memref<80xi32, #tpu.memory_space<hbm>>
        tpu.enqueue_dma source(%dma_start3A_424 : memref<80xi32, #tpu.memory_space<hbm>>) target(%dma_start3A_423 : memref<80xi32, #tpu.memory_space<vmem>>) target_semaphore(%arg20 : memref<!tpu.dma_semaphore, #tpu.memory_space<semaphore_mem>>)
      } else {
      }
      %mul3A_379 = arith.constant 4 : i32
      %mul3A_380 = arith.muli %mul3A_379, %scan3A_248 : i32
      %add3A_381 = arith.constant 3 : i32
      %add3A_382 = arith.addi %mul3A_380, %add3A_381 : i32
      %lt3A_383 = arith.constant 30 : i32
      %lt3A_384 = arith.cmpi slt, %scan3A_248, %lt3A_383 : i32
      %convert_element_type3A_385 = arith.extui %lt3A_384 : i1 to i32
      %cond3A_386 = arith.constant 0 : i32
      %cond3A_387 = arith.cmpi ne, %convert_element_type3A_385, %cond3A_386 : i32
      scf.if %cond3A_387 {
        %dma_wait3A_405 = arith.constant 80 : i32
        %dma_wait3A_406 = tpu.memref_slice %arg8[%dma_wait3A_405] : memref<320xi32, #tpu.memory_space<vmem>> -> memref<80xi32, #tpu.memory_space<vmem>>
        %dma_wait3A_407 = arith.constant 0 : i32
        %dma_wait3A_408 = tpu.memref_slice %arg3[%dma_wait3A_407] : memref<320000xi32, #tpu.memory_space<hbm>> -> memref<80xi32, #tpu.memory_space<hbm>>
        %dma_wait3A_409 = arith.constant 80 : i32
        %dma_wait3A_410 = tpu.memref_slice %arg8[%dma_wait3A_409] : memref<320xi32, #tpu.memory_space<vmem>> -> memref<80xi32, #tpu.memory_space<vmem>>
        %dma_wait3A_411 = arith.constant 0 : i32
        %dma_wait3A_412 = tpu.memref_slice %arg3[%dma_wait3A_411] : memref<320000xi32, #tpu.memory_space<hbm>> -> memref<80xi32, #tpu.memory_space<hbm>>
        tpu.wait_dma2 semaphore(%arg19 : memref<!tpu.dma_semaphore, #tpu.memory_space<semaphore_mem>>) src(%dma_wait3A_412 : memref<80xi32, #tpu.memory_space<hbm>>) dst(%dma_wait3A_410 : memref<80xi32, #tpu.memory_space<vmem>>)
        %dma_wait3A_413 = arith.constant 80 : i32
        %dma_wait3A_414 = tpu.memref_slice %arg9[%dma_wait3A_413] : memref<320xi32, #tpu.memory_space<vmem>> -> memref<80xi32, #tpu.memory_space<vmem>>
        %dma_wait3A_415 = arith.constant 0 : i32
        %dma_wait3A_416 = tpu.memref_slice %arg4[%dma_wait3A_415] : memref<320000xi32, #tpu.memory_space<hbm>> -> memref<80xi32, #tpu.memory_space<hbm>>
        %dma_wait3A_417 = arith.constant 80 : i32
        %dma_wait3A_418 = tpu.memref_slice %arg9[%dma_wait3A_417] : memref<320xi32, #tpu.memory_space<vmem>> -> memref<80xi32, #tpu.memory_space<vmem>>
        %dma_wait3A_419 = arith.constant 0 : i32
        %dma_wait3A_420 = tpu.memref_slice %arg4[%dma_wait3A_419] : memref<320000xi32, #tpu.memory_space<hbm>> -> memref<80xi32, #tpu.memory_space<hbm>>
        tpu.wait_dma2 semaphore(%arg19 : memref<!tpu.dma_semaphore, #tpu.memory_space<semaphore_mem>>) src(%dma_wait3A_420 : memref<80xi32, #tpu.memory_space<hbm>>) dst(%dma_wait3A_418 : memref<80xi32, #tpu.memory_space<vmem>>)
        %dma_start3A_421 = arith.constant 1 : i32
        %dma_start3A_422 = arith.constant 0 : i32
        %dma_start3A_423 = arith.constant 0 : i32
        %dma_start3A_424 = tpu.memref_slice %arg7[%dma_start3A_421, %dma_start3A_422, %dma_start3A_423] : memref<4x80x128xf32, #tpu.memory_space<vmem>> -> memref<1x80x128xf32, #tpu.memory_space<vmem>>
        %dma_start3A_425 = tpu.memref_squeeze %dma_start3A_424 : memref<1x80x128xf32, #tpu.memory_space<vmem>> -> memref<80x128xf32, #tpu.memory_space<vmem>>
        %dma_start3A_426 = arith.constant 80 : i32
        %dma_start3A_427 = tpu.memref_slice %arg8[%dma_start3A_426] : memref<320xi32, #tpu.memory_space<vmem>> -> memref<80xi32, #tpu.memory_space<vmem>>
        %dma_start3A_428 = arith.constant 0 : i32
        %dma_start3A_429 = arith.constant 0 : i32
        %dma_start3A_430 = tpu.memref_slice %arg2[%dma_start3A_428, %dma_start3A_429] : memref<10000x128xf32, #tpu.memory_space<hbm>> -> memref<10000x128xf32, #tpu.memory_space<hbm>>
        tpu.enqueue_indirect_dma source(%dma_start3A_430 : memref<10000x128xf32, #tpu.memory_space<hbm>>) target(%dma_start3A_425 : memref<80x128xf32, #tpu.memory_space<vmem>>) offsets(%dma_start3A_427 : memref<80xi32, #tpu.memory_space<vmem>>) semaphore(%arg15 : memref<!tpu.dma_semaphore, #tpu.memory_space<semaphore_mem>>)
      } else {
      }
      %dma_wait3A_388 = arith.constant 3 : i32
      %dma_wait3A_389 = arith.constant 0 : i32
      %dma_wait3A_390 = arith.constant 0 : i32
      %dma_wait3A_391 = tpu.memref_slice %arg7[%dma_wait3A_388, %dma_wait3A_389, %dma_wait3A_390] : memref<4x80x128xf32, #tpu.memory_space<vmem>> -> memref<1x80x128xf32, #tpu.memory_space<vmem>>
      %dma_wait3A_392 = tpu.memref_squeeze %dma_wait3A_391 : memref<1x80x128xf32, #tpu.memory_space<vmem>> -> memref<80x128xf32, #tpu.memory_space<vmem>>
      %dma_wait3A_393 = arith.constant 240 : i32
      %dma_wait3A_394 = tpu.memref_slice %arg8[%dma_wait3A_393] : memref<320xi32, #tpu.memory_space<vmem>> -> memref<80xi32, #tpu.memory_space<vmem>>
      %dma_wait3A_395 = arith.constant 0 : i32
      %dma_wait3A_396 = arith.constant 0 : i32
      %dma_wait3A_397 = tpu.memref_slice %arg2[%dma_wait3A_395, %dma_wait3A_396] : memref<10000x128xf32, #tpu.memory_space<hbm>> -> memref<10000x128xf32, #tpu.memory_space<hbm>>
      tpu.wait_indirect_dma semaphore(%arg17 : memref<!tpu.dma_semaphore, #tpu.memory_space<semaphore_mem>>) src(%dma_wait3A_397 : memref<10000x128xf32, #tpu.memory_space<hbm>>) dst(%dma_wait3A_392 : memref<80x128xf32, #tpu.memory_space<vmem>>)
      %run_scoped3A_398 = arith.constant 3 : i32
      "tpu.region"() ({
        %run_scoped3A_405 = tpu.sem_alloc : memref<!tpu.dma_semaphore, #tpu.memory_space<semaphore_mem>>
        %dma_start3A_406 = arith.constant 0 : i32
        %dma_start3A_407 = arith.constant 0 : i32
        %dma_start3A_408 = tpu.memref_slice %arg7[%run_scoped3A_398, %dma_start3A_406, %dma_start3A_407] : memref<4x80x128xf32, #tpu.memory_space<vmem>> -> memref<1x80x128xf32, #tpu.memory_space<vmem>>
        %dma_start3A_409 = tpu.memref_squeeze %dma_start3A_408 : memref<1x80x128xf32, #tpu.memory_space<vmem>> -> memref<80x128xf32, #tpu.memory_space<vmem>>
        %dma_start3A_410 = arith.constant 240 : i32
        %dma_start3A_411 = tpu.memref_slice %arg9[%dma_start3A_410] : memref<320xi32, #tpu.memory_space<vmem>> -> memref<80xi32, #tpu.memory_space<vmem>>
        %dma_start3A_412 = arith.constant 0 : i32
        %dma_start3A_413 = arith.constant 0 : i32
        %dma_start3A_414 = tpu.memref_slice %arg12[%dma_start3A_412, %dma_start3A_413] : memref<10240x128xf32, #tpu.memory_space<vmem_shared>> -> memref<10240x128xf32, #tpu.memory_space<vmem_shared>>
        tpu.enqueue_indirect_dma source(%dma_start3A_409 : memref<80x128xf32, #tpu.memory_space<vmem>>) target(%dma_start3A_414 : memref<10240x128xf32, #tpu.memory_space<vmem_shared>>) offsets(%dma_start3A_411 : memref<80xi32, #tpu.memory_space<vmem>>) semaphore(%run_scoped3A_405 : memref<!tpu.dma_semaphore, #tpu.memory_space<semaphore_mem>>) {add = true}
        %dma_wait3A_415 = arith.constant 0 : i32
        %dma_wait3A_416 = arith.constant 0 : i32
        %dma_wait3A_417 = tpu.memref_slice %arg7[%run_scoped3A_398, %dma_wait3A_415, %dma_wait3A_416] : memref<4x80x128xf32, #tpu.memory_space<vmem>> -> memref<1x80x128xf32, #tpu.memory_space<vmem>>
        %dma_wait3A_418 = tpu.memref_squeeze %dma_wait3A_417 : memref<1x80x128xf32, #tpu.memory_space<vmem>> -> memref<80x128xf32, #tpu.memory_space<vmem>>
        %dma_wait3A_419 = arith.constant 240 : i32
        %dma_wait3A_420 = tpu.memref_slice %arg9[%dma_wait3A_419] : memref<320xi32, #tpu.memory_space<vmem>> -> memref<80xi32, #tpu.memory_space<vmem>>
        %dma_wait3A_421 = arith.constant 0 : i32
        %dma_wait3A_422 = arith.constant 0 : i32
        %dma_wait3A_423 = tpu.memref_slice %arg12[%dma_wait3A_421, %dma_wait3A_422] : memref<10240x128xf32, #tpu.memory_space<vmem_shared>> -> memref<10240x128xf32, #tpu.memory_space<vmem_shared>>
        tpu.wait_indirect_dma semaphore(%run_scoped3A_405 : memref<!tpu.dma_semaphore, #tpu.memory_space<semaphore_mem>>) src(%dma_wait3A_418 : memref<80x128xf32, #tpu.memory_space<vmem>>) dst(%dma_wait3A_423 : memref<10240x128xf32, #tpu.memory_space<vmem_shared>>)
        tpu.yield
      }) : () -> ()
      "tpu.region"() ({
        %run_scoped3A_405 = tpu.sem_alloc : memref<!tpu.dma_semaphore, #tpu.memory_space<semaphore_mem>>
        %dma_start3A_406 = arith.constant 240 : i32
        %dma_start3A_407 = tpu.memref_slice %arg9[%dma_start3A_406] : memref<320xi32, #tpu.memory_space<vmem>> -> memref<80xi32, #tpu.memory_space<vmem>>
        %dma_start3A_408 = arith.constant 0 : i32
        %dma_start3A_409 = tpu.memref_slice %arg13[%dma_start3A_408] : memref<10240xf32, #tpu.memory_space<vmem_shared>> -> memref<10240xf32, #tpu.memory_space<vmem_shared>>
        tpu.enqueue_indirect_dma source(%arg10 : memref<80xf32, #tpu.memory_space<vmem>>) target(%dma_start3A_409 : memref<10240xf32, #tpu.memory_space<vmem_shared>>) offsets(%dma_start3A_407 : memref<80xi32, #tpu.memory_space<vmem>>) semaphore(%run_scoped3A_405 : memref<!tpu.dma_semaphore, #tpu.memory_space<semaphore_mem>>) {add = true}
        %dma_wait3A_410 = arith.constant 240 : i32
        %dma_wait3A_411 = tpu.memref_slice %arg9[%dma_wait3A_410] : memref<320xi32, #tpu.memory_space<vmem>> -> memref<80xi32, #tpu.memory_space<vmem>>
        %dma_wait3A_412 = arith.constant 0 : i32
        %dma_wait3A_413 = tpu.memref_slice %arg13[%dma_wait3A_412] : memref<10240xf32, #tpu.memory_space<vmem_shared>> -> memref<10240xf32, #tpu.memory_space<vmem_shared>>
        tpu.wait_indirect_dma semaphore(%run_scoped3A_405 : memref<!tpu.dma_semaphore, #tpu.memory_space<semaphore_mem>>) src(%arg10 : memref<80xf32, #tpu.memory_space<vmem>>) dst(%dma_wait3A_413 : memref<10240xf32, #tpu.memory_space<vmem_shared>>)
        tpu.yield
      }) : () -> ()
      %lt3A_399 = arith.constant 30 : i32
      %lt3A_400 = arith.cmpi slt, %scan3A_248, %lt3A_399 : i32
      %convert_element_type3A_401 = arith.extui %lt3A_400 : i1 to i32
      %cond3A_402 = arith.constant 0 : i32
      %cond3A_403 = arith.cmpi ne, %convert_element_type3A_401, %cond3A_402 : i32
      scf.if %cond3A_403 {
        %add3A_405 = arith.constant 4 : i32
        %add3A_406 = arith.addi %add3A_382, %add3A_405 : i32
        %mul3A_407 = arith.constant 80 : i32
        %mul3A_408 = arith.muli %add3A_406, %mul3A_407 : i32
        %add3A_409 = arith.addi %mul3A_80, %mul3A_408 : i32
        %dma_start3A_410 = arith.constant 240 : i32
        %dma_start3A_411 = tpu.memref_slice %arg8[%dma_start3A_410] : memref<320xi32, #tpu.memory_space<vmem>> -> memref<80xi32, #tpu.memory_space<vmem>>
        %dma_start3A_412 = tpu.memref_slice %arg3[%add3A_409] : memref<320000xi32, #tpu.memory_space<hbm>> -> memref<80xi32, #tpu.memory_space<hbm>>
        %dma_start3A_413 = arith.constant 240 : i32
        %dma_start3A_414 = tpu.memref_slice %arg8[%dma_start3A_413] : memref<320xi32, #tpu.memory_space<vmem>> -> memref<80xi32, #tpu.memory_space<vmem>>
        %dma_start3A_415 = tpu.memref_slice %arg3[%add3A_409] : memref<320000xi32, #tpu.memory_space<hbm>> -> memref<80xi32, #tpu.memory_space<hbm>>
        tpu.enqueue_dma source(%dma_start3A_415 : memref<80xi32, #tpu.memory_space<hbm>>) target(%dma_start3A_414 : memref<80xi32, #tpu.memory_space<vmem>>) target_semaphore(%arg21 : memref<!tpu.dma_semaphore, #tpu.memory_space<semaphore_mem>>)
        %mul3A_416 = arith.constant 80 : i32
        %mul3A_417 = arith.muli %add3A_406, %mul3A_416 : i32
        %add3A_418 = arith.addi %mul3A_80, %mul3A_417 : i32
        %dma_start3A_419 = arith.constant 240 : i32
        %dma_start3A_420 = tpu.memref_slice %arg9[%dma_start3A_419] : memref<320xi32, #tpu.memory_space<vmem>> -> memref<80xi32, #tpu.memory_space<vmem>>
        %dma_start3A_421 = tpu.memref_slice %arg4[%add3A_418] : memref<320000xi32, #tpu.memory_space<hbm>> -> memref<80xi32, #tpu.memory_space<hbm>>
        %dma_start3A_422 = arith.constant 240 : i32
        %dma_start3A_423 = tpu.memref_slice %arg9[%dma_start3A_422] : memref<320xi32, #tpu.memory_space<vmem>> -> memref<80xi32, #tpu.memory_space<vmem>>
        %dma_start3A_424 = tpu.memref_slice %arg4[%add3A_418] : memref<320000xi32, #tpu.memory_space<hbm>> -> memref<80xi32, #tpu.memory_space<hbm>>
        tpu.enqueue_dma source(%dma_start3A_424 : memref<80xi32, #tpu.memory_space<hbm>>) target(%dma_start3A_423 : memref<80xi32, #tpu.memory_space<vmem>>) target_semaphore(%arg21 : memref<!tpu.dma_semaphore, #tpu.memory_space<semaphore_mem>>)
      } else {
      }
      %scan3A_404 = arith.constant 0 : i32
      scf.yield %scan3A_404 : i32
    }
    %scan3A_201 = arith.constant 31 : i32
    %dma_wait3A_202 = arith.constant 0 : i32
    %dma_wait3A_203 = tpu.memref_slice %arg8[%dma_wait3A_202] : memref<320xi32, #tpu.memory_space<vmem>> -> memref<80xi32, #tpu.memory_space<vmem>>
    %dma_wait3A_204 = arith.constant 0 : i32
    %dma_wait3A_205 = tpu.memref_slice %arg3[%dma_wait3A_204] : memref<320000xi32, #tpu.memory_space<hbm>> -> memref<80xi32, #tpu.memory_space<hbm>>
    %dma_wait3A_206 = arith.constant 0 : i32
    %dma_wait3A_207 = tpu.memref_slice %arg8[%dma_wait3A_206] : memref<320xi32, #tpu.memory_space<vmem>> -> memref<80xi32, #tpu.memory_space<vmem>>
    %dma_wait3A_208 = arith.constant 0 : i32
    %dma_wait3A_209 = tpu.memref_slice %arg3[%dma_wait3A_208] : memref<320000xi32, #tpu.memory_space<hbm>> -> memref<80xi32, #tpu.memory_space<hbm>>
    tpu.wait_dma2 semaphore(%arg18 : memref<!tpu.dma_semaphore, #tpu.memory_space<semaphore_mem>>) src(%dma_wait3A_209 : memref<80xi32, #tpu.memory_space<hbm>>) dst(%dma_wait3A_207 : memref<80xi32, #tpu.memory_space<vmem>>)
    %dma_wait3A_210 = arith.constant 0 : i32
    %dma_wait3A_211 = tpu.memref_slice %arg9[%dma_wait3A_210] : memref<320xi32, #tpu.memory_space<vmem>> -> memref<80xi32, #tpu.memory_space<vmem>>
    %dma_wait3A_212 = arith.constant 0 : i32
    %dma_wait3A_213 = tpu.memref_slice %arg4[%dma_wait3A_212] : memref<320000xi32, #tpu.memory_space<hbm>> -> memref<80xi32, #tpu.memory_space<hbm>>
    %dma_wait3A_214 = arith.constant 0 : i32
    %dma_wait3A_215 = tpu.memref_slice %arg9[%dma_wait3A_214] : memref<320xi32, #tpu.memory_space<vmem>> -> memref<80xi32, #tpu.memory_space<vmem>>
    %dma_wait3A_216 = arith.constant 0 : i32
    %dma_wait3A_217 = tpu.memref_slice %arg4[%dma_wait3A_216] : memref<320000xi32, #tpu.memory_space<hbm>> -> memref<80xi32, #tpu.memory_space<hbm>>
    tpu.wait_dma2 semaphore(%arg18 : memref<!tpu.dma_semaphore, #tpu.memory_space<semaphore_mem>>) src(%dma_wait3A_217 : memref<80xi32, #tpu.memory_space<hbm>>) dst(%dma_wait3A_215 : memref<80xi32, #tpu.memory_space<vmem>>)
    %dma_start3A_218 = arith.constant 0 : i32
    %dma_start3A_219 = arith.constant 0 : i32
    %dma_start3A_220 = arith.constant 0 : i32
    %dma_start3A_221 = tpu.memref_slice %arg7[%dma_start3A_218, %dma_start3A_219, %dma_start3A_220] : memref<4x80x128xf32, #tpu.memory_space<vmem>> -> memref<1x80x128xf32, #tpu.memory_space<vmem>>
    %dma_start3A_222 = tpu.memref_squeeze %dma_start3A_221 : memref<1x80x128xf32, #tpu.memory_space<vmem>> -> memref<80x128xf32, #tpu.memory_space<vmem>>
    %dma_start3A_223 = arith.constant 0 : i32
    %dma_start3A_224 = tpu.memref_slice %arg8[%dma_start3A_223] : memref<320xi32, #tpu.memory_space<vmem>> -> memref<80xi32, #tpu.memory_space<vmem>>
    %dma_start3A_225 = arith.constant 0 : i32
    %dma_start3A_226 = arith.constant 0 : i32
    %dma_start3A_227 = tpu.memref_slice %arg2[%dma_start3A_225, %dma_start3A_226] : memref<10000x128xf32, #tpu.memory_space<hbm>> -> memref<10000x128xf32, #tpu.memory_space<hbm>>
    tpu.enqueue_indirect_dma source(%dma_start3A_227 : memref<10000x128xf32, #tpu.memory_space<hbm>>) target(%dma_start3A_222 : memref<80x128xf32, #tpu.memory_space<vmem>>) offsets(%dma_start3A_224 : memref<80xi32, #tpu.memory_space<vmem>>) semaphore(%arg14 : memref<!tpu.dma_semaphore, #tpu.memory_space<semaphore_mem>>)
    %dma_wait3A_228 = arith.constant 0 : i32
    %dma_wait3A_229 = arith.constant 0 : i32
    %dma_wait3A_230 = arith.constant 0 : i32
    %dma_wait3A_231 = tpu.memref_slice %arg7[%dma_wait3A_228, %dma_wait3A_229, %dma_wait3A_230] : memref<4x80x128xf32, #tpu.memory_space<vmem>> -> memref<1x80x128xf32, #tpu.memory_space<vmem>>
    %dma_wait3A_232 = tpu.memref_squeeze %dma_wait3A_231 : memref<1x80x128xf32, #tpu.memory_space<vmem>> -> memref<80x128xf32, #tpu.memory_space<vmem>>
    %dma_wait3A_233 = arith.constant 0 : i32
    %dma_wait3A_234 = tpu.memref_slice %arg8[%dma_wait3A_233] : memref<320xi32, #tpu.memory_space<vmem>> -> memref<80xi32, #tpu.memory_space<vmem>>
    %dma_wait3A_235 = arith.constant 0 : i32
    %dma_wait3A_236 = arith.constant 0 : i32
    %dma_wait3A_237 = tpu.memref_slice %arg2[%dma_wait3A_235, %dma_wait3A_236] : memref<10000x128xf32, #tpu.memory_space<hbm>> -> memref<10000x128xf32, #tpu.memory_space<hbm>>
    tpu.wait_indirect_dma semaphore(%arg14 : memref<!tpu.dma_semaphore, #tpu.memory_space<semaphore_mem>>) src(%dma_wait3A_237 : memref<10000x128xf32, #tpu.memory_space<hbm>>) dst(%dma_wait3A_232 : memref<80x128xf32, #tpu.memory_space<vmem>>)
    %run_scoped3A_238 = arith.constant 0 : i32
    "tpu.region"() ({
      %run_scoped3A_248 = tpu.sem_alloc : memref<!tpu.dma_semaphore, #tpu.memory_space<semaphore_mem>>
      %dma_start3A_249 = arith.constant 0 : i32
      %dma_start3A_250 = arith.constant 0 : i32
      %dma_start3A_251 = tpu.memref_slice %arg7[%run_scoped3A_238, %dma_start3A_249, %dma_start3A_250] : memref<4x80x128xf32, #tpu.memory_space<vmem>> -> memref<1x80x128xf32, #tpu.memory_space<vmem>>
      %dma_start3A_252 = tpu.memref_squeeze %dma_start3A_251 : memref<1x80x128xf32, #tpu.memory_space<vmem>> -> memref<80x128xf32, #tpu.memory_space<vmem>>
      %dma_start3A_253 = arith.constant 0 : i32
      %dma_start3A_254 = tpu.memref_slice %arg9[%dma_start3A_253] : memref<320xi32, #tpu.memory_space<vmem>> -> memref<80xi32, #tpu.memory_space<vmem>>
      %dma_start3A_255 = arith.constant 0 : i32
      %dma_start3A_256 = arith.constant 0 : i32
      %dma_start3A_257 = tpu.memref_slice %arg12[%dma_start3A_255, %dma_start3A_256] : memref<10240x128xf32, #tpu.memory_space<vmem_shared>> -> memref<10240x128xf32, #tpu.memory_space<vmem_shared>>
      tpu.enqueue_indirect_dma source(%dma_start3A_252 : memref<80x128xf32, #tpu.memory_space<vmem>>) target(%dma_start3A_257 : memref<10240x128xf32, #tpu.memory_space<vmem_shared>>) offsets(%dma_start3A_254 : memref<80xi32, #tpu.memory_space<vmem>>) semaphore(%run_scoped3A_248 : memref<!tpu.dma_semaphore, #tpu.memory_space<semaphore_mem>>) {add = true}
      %dma_wait3A_258 = arith.constant 0 : i32
      %dma_wait3A_259 = arith.constant 0 : i32
      %dma_wait3A_260 = tpu.memref_slice %arg7[%run_scoped3A_238, %dma_wait3A_258, %dma_wait3A_259] : memref<4x80x128xf32, #tpu.memory_space<vmem>> -> memref<1x80x128xf32, #tpu.memory_space<vmem>>
      %dma_wait3A_261 = tpu.memref_squeeze %dma_wait3A_260 : memref<1x80x128xf32, #tpu.memory_space<vmem>> -> memref<80x128xf32, #tpu.memory_space<vmem>>
      %dma_wait3A_262 = arith.constant 0 : i32
      %dma_wait3A_263 = tpu.memref_slice %arg9[%dma_wait3A_262] : memref<320xi32, #tpu.memory_space<vmem>> -> memref<80xi32, #tpu.memory_space<vmem>>
      %dma_wait3A_264 = arith.constant 0 : i32
      %dma_wait3A_265 = arith.constant 0 : i32
      %dma_wait3A_266 = tpu.memref_slice %arg12[%dma_wait3A_264, %dma_wait3A_265] : memref<10240x128xf32, #tpu.memory_space<vmem_shared>> -> memref<10240x128xf32, #tpu.memory_space<vmem_shared>>
      tpu.wait_indirect_dma semaphore(%run_scoped3A_248 : memref<!tpu.dma_semaphore, #tpu.memory_space<semaphore_mem>>) src(%dma_wait3A_261 : memref<80x128xf32, #tpu.memory_space<vmem>>) dst(%dma_wait3A_266 : memref<10240x128xf32, #tpu.memory_space<vmem_shared>>)
      tpu.yield
    }) : () -> ()
    "tpu.region"() ({
      %run_scoped3A_248 = tpu.sem_alloc : memref<!tpu.dma_semaphore, #tpu.memory_space<semaphore_mem>>
      %dma_start3A_249 = arith.constant 0 : i32
      %dma_start3A_250 = tpu.memref_slice %arg9[%dma_start3A_249] : memref<320xi32, #tpu.memory_space<vmem>> -> memref<80xi32, #tpu.memory_space<vmem>>
      %dma_start3A_251 = arith.constant 0 : i32
      %dma_start3A_252 = tpu.memref_slice %arg13[%dma_start3A_251] : memref<10240xf32, #tpu.memory_space<vmem_shared>> -> memref<10240xf32, #tpu.memory_space<vmem_shared>>
      tpu.enqueue_indirect_dma source(%arg10 : memref<80xf32, #tpu.memory_space<vmem>>) target(%dma_start3A_252 : memref<10240xf32, #tpu.memory_space<vmem_shared>>) offsets(%dma_start3A_250 : memref<80xi32, #tpu.memory_space<vmem>>) semaphore(%run_scoped3A_248 : memref<!tpu.dma_semaphore, #tpu.memory_space<semaphore_mem>>) {add = true}
      %dma_wait3A_253 = arith.constant 0 : i32
      %dma_wait3A_254 = tpu.memref_slice %arg9[%dma_wait3A_253] : memref<320xi32, #tpu.memory_space<vmem>> -> memref<80xi32, #tpu.memory_space<vmem>>
      %dma_wait3A_255 = arith.constant 0 : i32
      %dma_wait3A_256 = tpu.memref_slice %arg13[%dma_wait3A_255] : memref<10240xf32, #tpu.memory_space<vmem_shared>> -> memref<10240xf32, #tpu.memory_space<vmem_shared>>
      tpu.wait_indirect_dma semaphore(%run_scoped3A_248 : memref<!tpu.dma_semaphore, #tpu.memory_space<semaphore_mem>>) src(%arg10 : memref<80xf32, #tpu.memory_space<vmem>>) dst(%dma_wait3A_256 : memref<10240xf32, #tpu.memory_space<vmem_shared>>)
      tpu.yield
    }) : () -> ()
    %barrier3A_239 = arith.constant 0 : index
    tpu.barrier barrier_id(%barrier3A_239)
    %mul3A_240 = arith.constant 640 : i32
    %mul3A_241 = arith.muli %arg1, %mul3A_240 : i32
    %mul3A_242 = arith.constant 640 : i32
    %mul3A_243 = arith.muli %arg1, %mul3A_242 : i32
    "tpu.region"() ({
      %run_scoped3A_248 = tpu.sem_alloc : memref<!tpu.dma_semaphore, #tpu.memory_space<semaphore_mem>>
      %dma_start3A_249 = arith.constant 0 : i32
      %dma_start3A_250 = tpu.memref_slice %arg5[%arg0, %mul3A_243, %dma_start3A_249] : memref<2x10240x128xf32, #tpu.memory_space<hbm>> -> memref<1x640x128xf32, #tpu.memory_space<hbm>>
      %dma_start3A_251 = tpu.memref_squeeze %dma_start3A_250 : memref<1x640x128xf32, #tpu.memory_space<hbm>> -> memref<640x128xf32, #tpu.memory_space<hbm>>
      %dma_start3A_252 = arith.constant 0 : i32
      %dma_start3A_253 = tpu.memref_slice %arg12[%mul3A_241, %dma_start3A_252] : memref<10240x128xf32, #tpu.memory_space<vmem_shared>> -> memref<640x128xf32, #tpu.memory_space<vmem_shared>>
      tpu.enqueue_dma source(%dma_start3A_253 : memref<640x128xf32, #tpu.memory_space<vmem_shared>>) target(%dma_start3A_251 : memref<640x128xf32, #tpu.memory_space<hbm>>) target_semaphore(%run_scoped3A_248 : memref<!tpu.dma_semaphore, #tpu.memory_space<semaphore_mem>>)
      %dma_wait3A_254 = arith.constant 0 : i32
      %dma_wait3A_255 = tpu.memref_slice %arg5[%arg0, %mul3A_243, %dma_wait3A_254] : memref<2x10240x128xf32, #tpu.memory_space<hbm>> -> memref<1x640x128xf32, #tpu.memory_space<hbm>>
      %dma_wait3A_256 = tpu.memref_squeeze %dma_wait3A_255 : memref<1x640x128xf32, #tpu.memory_space<hbm>> -> memref<640x128xf32, #tpu.memory_space<hbm>>
      %dma_wait3A_257 = arith.constant 0 : i32
      %dma_wait3A_258 = tpu.memref_slice %arg12[%mul3A_241, %dma_wait3A_257] : memref<10240x128xf32, #tpu.memory_space<vmem_shared>> -> memref<640x128xf32, #tpu.memory_space<vmem_shared>>
      tpu.wait_dma2 semaphore(%run_scoped3A_248 : memref<!tpu.dma_semaphore, #tpu.memory_space<semaphore_mem>>) src(%dma_wait3A_258 : memref<640x128xf32, #tpu.memory_space<vmem_shared>>) dst(%dma_wait3A_256 : memref<640x128xf32, #tpu.memory_space<hbm>>)
      tpu.yield
    }) : () -> ()
    %mul3A_244 = arith.constant 640 : i32
    %mul3A_245 = arith.muli %arg1, %mul3A_244 : i32
    %mul3A_246 = arith.constant 640 : i32
    %mul3A_247 = arith.muli %arg1, %mul3A_246 : i32
    "tpu.region"() ({
      %run_scoped3A_248 = tpu.sem_alloc : memref<!tpu.dma_semaphore, #tpu.memory_space<semaphore_mem>>
      %dma_start3A_249 = tpu.memref_slice %arg6[%arg0, %mul3A_247] : memref<2x10240xf32, #tpu.memory_space<hbm>> -> memref<1x640xf32, #tpu.memory_space<hbm>>
      %dma_start3A_250 = tpu.memref_squeeze %dma_start3A_249 : memref<1x640xf32, #tpu.memory_space<hbm>> -> memref<640xf32, #tpu.memory_space<hbm>>
      %dma_start3A_251 = tpu.memref_slice %arg13[%mul3A_245] : memref<10240xf32, #tpu.memory_space<vmem_shared>> -> memref<640xf32, #tpu.memory_space<vmem_shared>>
      tpu.enqueue_dma source(%dma_start3A_251 : memref<640xf32, #tpu.memory_space<vmem_shared>>) target(%dma_start3A_250 : memref<640xf32, #tpu.memory_space<hbm>>) target_semaphore(%run_scoped3A_248 : memref<!tpu.dma_semaphore, #tpu.memory_space<semaphore_mem>>)
      %dma_wait3A_252 = tpu.memref_slice %arg6[%arg0, %mul3A_247] : memref<2x10240xf32, #tpu.memory_space<hbm>> -> memref<1x640xf32, #tpu.memory_space<hbm>>
      %dma_wait3A_253 = tpu.memref_squeeze %dma_wait3A_252 : memref<1x640xf32, #tpu.memory_space<hbm>> -> memref<640xf32, #tpu.memory_space<hbm>>
      %dma_wait3A_254 = tpu.memref_slice %arg13[%mul3A_245] : memref<10240xf32, #tpu.memory_space<vmem_shared>> -> memref<640xf32, #tpu.memory_space<vmem_shared>>
      tpu.wait_dma2 semaphore(%run_scoped3A_248 : memref<!tpu.dma_semaphore, #tpu.memory_space<semaphore_mem>>) src(%dma_wait3A_254 : memref<640xf32, #tpu.memory_space<vmem_shared>>) dst(%dma_wait3A_253 : memref<640xf32, #tpu.memory_space<hbm>>)
      tpu.yield
    }) : () -> ()
    return
  }
}

module attributes {stable_mosaic.version = 14 : i64} {
  func.func @body(%arg0: i32, %arg1: memref<2x2000x128xf32, #tpu.memory_space<vmem>>, %arg2: memref<10240x2xf32, #tpu.memory_space<vmem>>, %arg3: memref<2000x128xf32, #tpu.memory_space<vmem>>, %arg4: memref<128x128xf32, #tpu.memory_space<vmem>>, %arg5: memref<1x128xf32, #tpu.memory_space<vmem>>, %arg6: memref<2000x128xf32, #tpu.memory_space<vmem>>) attributes {dimension_semantics = [#tpu.dimension_semantics<arbitrary>], iteration_bounds = array<i64: 5>, scalar_prefetch = 0 : i64, scratch_operands = 0 : i64, tpu.core_type = #tpu.core_type<tc>, window_params = [{transform_indices = @transform_0, window_bounds = array<i64: 2, 2000, 128>}, {pipeline_mode = #tpu.pipeline_mode<synchronous>, transform_indices = @transform_1, window_bounds = array<i64: 10240, 2>}, {transform_indices = @transform_2, window_bounds = array<i64: 2000, 128>}, {pipeline_mode = #tpu.pipeline_mode<synchronous>, transform_indices = @transform_3, window_bounds = array<i64: 128, 128>}, {pipeline_mode = #tpu.pipeline_mode<synchronous>, transform_indices = @transform_4, window_bounds = array<i64: 1, 128>}, {transform_indices = @transform_5, window_bounds = array<i64: 2000, 128>}]} {
    %get3A = arith.constant 0 : index
    %get3A_0 = arith.constant 0 : index
    %get3A_1 = arith.constant 0 : index
    %get3A_2 = vector.load %arg1[%get3A, %get3A_0, %get3A_1] : memref<2x2000x128xf32, #tpu.memory_space<vmem>>, vector<2x2000x128xf32>
    %slice3A = vector.extract_strided_slice %get3A_2 {offsets = [0, 0, 0], sizes = [1, 2000, 128], strides = [1, 1, 1]} : vector<2x2000x128xf32> to vector<1x2000x128xf32>
    %squeeze3A = vector.shape_cast %slice3A : vector<1x2000x128xf32> to vector<2000x128xf32>
    %slice3A_3 = vector.extract_strided_slice %get3A_2 {offsets = [1, 0, 0], sizes = [1, 2000, 128], strides = [1, 1, 1]} : vector<2x2000x128xf32> to vector<1x2000x128xf32>
    %squeeze3A_4 = vector.shape_cast %slice3A_3 : vector<1x2000x128xf32> to vector<2000x128xf32>
    %add3A = arith.addf %squeeze3A, %squeeze3A_4 : vector<2000x128xf32>
    %mul3A = arith.constant 2000 : i32
    %mul3A_5 = arith.muli %arg0, %mul3A : i32
    %get3A_6 = arith.index_cast %mul3A_5 : i32 to index
    %get3A_7 = arith.constant 0 : index
    %get3A_8 = vector.load %arg2[%get3A_6, %get3A_7] : memref<10240x2xf32, #tpu.memory_space<vmem>>, vector<2000x2xf32>
    %slice3A_9 = vector.extract_strided_slice %get3A_8 {offsets = [0, 0], sizes = [2000, 1], strides = [1, 1]} : vector<2000x2xf32> to vector<2000x1xf32>
    %slice3A_10 = vector.extract_strided_slice %get3A_8 {offsets = [0, 1], sizes = [2000, 1], strides = [1, 1]} : vector<2000x2xf32> to vector<2000x1xf32>
    %add3A_11 = arith.addf %slice3A_9, %slice3A_10 : vector<2000x1xf32>
    %max3A = arith.constant 1.000000e+00 : f32
    %max3A_12 = vector.broadcast %max3A : f32 to vector<2000x1xf32>
    %max3A_13 = arith.maximumf %add3A_11, %max3A_12 : vector<2000x1xf32>
    %div3A = vector.broadcast %max3A_13 : vector<2000x1xf32> to vector<2000x128xf32>
    %div3A_14 = arith.divf %add3A, %div3A : vector<2000x128xf32>
    %gt3A = arith.constant 0.000000e+00 : f32
    %gt3A_15 = vector.broadcast %gt3A : f32 to vector<2000x1xf32>
    %gt3A_16 = arith.cmpf ogt, %add3A_11, %gt3A_15 : vector<2000x1xf32>
    %get3A_17 = arith.constant 0 : index
    %get3A_18 = arith.constant 0 : index
    %get3A_19 = vector.load %arg3[%get3A_17, %get3A_18] : memref<2000x128xf32, #tpu.memory_space<vmem>>, vector<2000x128xf32>
    %broadcast_in_dim3A = vector.shape_cast %gt3A_16 : vector<2000x1xi1> to vector<2000x1xi1>
    %broadcast_in_dim3A_20 = vector.broadcast %broadcast_in_dim3A : vector<2000x1xi1> to vector<2000x128xi1>
    %select_n3A = arith.select %broadcast_in_dim3A_20, %div3A_14, %get3A_19 : vector<2000x128xi1>, vector<2000x128xf32>
    %get3A_21 = arith.constant 0 : index
    %get3A_22 = arith.constant 0 : index
    %get3A_23 = vector.load %arg4[%get3A_21, %get3A_22] : memref<128x128xf32, #tpu.memory_space<vmem>>, vector<128x128xf32>
    %dot_general3A = arith.constant dense<0.000000e+00> : vector<2000x128xf32>
    %dot_general3A_24 = tpu.matmul %select_n3A, %get3A_23, %dot_general3A {dimension_numbers = #tpu.dot_dimension_numbers<[1], [0], [0], [1], [0, 0, 1, 1], [], []>, transpose_lhs_hint = false} : vector<2000x128xf32>, vector<128x128xf32>, vector<2000x128xf32> -> vector<2000x128xf32>
    %get3A_25 = arith.constant 0 : index
    %get3A_26 = arith.constant 0 : index
    %get3A_27 = vector.load %arg5[%get3A_25, %get3A_26] : memref<1x128xf32, #tpu.memory_space<vmem>>, vector<1x128xf32>
    %add3A_28 = vector.broadcast %get3A_27 : vector<1x128xf32> to vector<2000x128xf32>
    %add3A_29 = arith.addf %dot_general3A_24, %add3A_28 : vector<2000x128xf32>
    %max3A_30 = arith.constant 0.000000e+00 : f32
    %max3A_31 = vector.broadcast %max3A_30 : f32 to vector<2000x128xf32>
    %max3A_32 = arith.maximumf %add3A_29, %max3A_31 : vector<2000x128xf32>
    %swap3A = arith.constant 0 : index
    %swap3A_33 = arith.constant 0 : index
    %swap3A_34 = vector.load %arg6[%swap3A, %swap3A_33] : memref<2000x128xf32, #tpu.memory_space<vmem>>, vector<2000x128xf32>
    tpu.vector_store %arg6[%swap3A, %swap3A_33], %max3A_32 {strides = array<i32>} : memref<2000x128xf32, #tpu.memory_space<vmem>>, vector<2000x128xf32>,
    return
  }
  func.func @transform_0(%arg0: i32) -> (i32, i32, i32) {
    %c0_i32 = arith.constant 0 : i32
    %c0_i32_0 = arith.constant 0 : i32
    %c0_i32_1 = arith.constant 0 : i32
    return %c0_i32, %arg0, %c0_i32_0 : i32, i32, i32
  }
  func.func @transform_1(%arg0: i32) -> (i32, i32) {
    %c0_i32 = arith.constant 0 : i32
    %c0_i32_0 = arith.constant 0 : i32
    %c0_i32_1 = arith.constant 0 : i32
    return %c0_i32, %c0_i32_0 : i32, i32
  }
  func.func @transform_2(%arg0: i32) -> (i32, i32) {
    %c0_i32 = arith.constant 0 : i32
    %c0_i32_0 = arith.constant 0 : i32
    return %arg0, %c0_i32 : i32, i32
  }
  func.func @transform_3(%arg0: i32) -> (i32, i32) {
    %c0_i32 = arith.constant 0 : i32
    %c0_i32_0 = arith.constant 0 : i32
    %c0_i32_1 = arith.constant 0 : i32
    return %c0_i32, %c0_i32_0 : i32, i32
  }
  func.func @transform_4(%arg0: i32) -> (i32, i32) {
    %c0_i32 = arith.constant 0 : i32
    %c0_i32_0 = arith.constant 0 : i32
    %c0_i32_1 = arith.constant 0 : i32
    return %c0_i32, %c0_i32_0 : i32, i32
  }
  func.func @transform_5(%arg0: i32) -> (i32, i32) {
    %c0_i32 = arith.constant 0 : i32
    %c0_i32_0 = arith.constant 0 : i32
    return %arg0, %c0_i32 : i32, i32
  }
}

</mosaic_0001>

<sc_bundles>
// kernel: kernel.4.cloned.1.call-start
scs
__scs_entry_jumppad:
0x0: {  	(pc) =	sbr.rel $0x88, $3  }
0x1: {  	(tag) =	ssettag $0x0;
	lr =	simm.s32 $0x1  }
0x2: {  	[smem:$0x3F9D] =	sst lr;
	_ =	strace $0xD0000000  }
0x3: {  	_ = 	snop  }
0x4: {  	_ = 	snop  }
0x5: {  	_ = 	snop  }
0x6: {  	_ = 	snop  }
0x7: {  	_ = 	snop  }
__scs_overlays_trampoline_lowered:
0x8: {  	[smem:$0x3FAC] =	sst s0  }
0x9: {  	[smem:$0x3FAD] =	sst s1  }
0xa: {  	[smem:$0x3FAE] =	sst s2  }
0xb: {  	[smem:$0x3FAF] =	sst s3  }
0xc: {  	[smem:$0x3FB0] =	sst s4  }
0xd: {  	[smem:$0x3FB1] =	sst s5  }
0xe: {  	[smem:$0x3FB2] =	sst s6  }
0xf: {  	[smem:$0x3FB3] =	sst s7  }
0x10: {  	[smem:$0x3FB4] =	sst s8  }
0x11: {  	[smem:$0x3FB5] =	sst s9;
	s0 =	simm.s32 @!p0 $0x0  }
0x12: {  	s1 =	sld [smem:$0x3F9B];
	s0 =	simm.s32 @p0 $0x1  }
0x13: {  	[smem:$0x3FB6] =	sst s0;
	s0 =	simm.s32 @!p1 $0x0  }
0x14: {  	s2 =	sld [smem:$0x3F9A];
	s0 =	simm.s32 @p1 $0x1  }
0x15: {  	[smem:$0x3FB7] =	sst s0;
	s0 =	simm.s32 @!p2 $0x0  }
0x16: {  	s3 =	sld [smem:$0x3FDB];
	s0 =	simm.s32 @p2 $0x1  }
0x17: {  	s4 =	simm.s32 $0x1BF5;
	[smem:$0x3FB9] =	sst s0  }
0x18: {  	s0 =	sld [smem:$0x3F9C];
	_ =	swait.ge [sflag:s4], $0x0  }
0x19: {  	s7 =	sld [smem:$0x3F9D]  }
0x1a: {  	s8 =	sadd.s32 $0xFFFFE003, lr  }
0x1b: {  	s9 =	sadd.s32 $0xFFFFFEF7, lr;
	s5 =	simm.s32 $0xFFFFFFFF;
	p2 =	slt.u32 s8, $0xFFFFF086  }
0x1c: {  	p1 =	slt.u32 s9, $0xF7A;
	s5 =	simm.s32 @!p2 $0x0  }
0x1d: {  	s5 =	simm.s32 @p1 $0x1;
	p0 =	seq.s32 s7, s2  }
0x1e: {  	s7 =	smul.u32 @!p0 $0xF7A, s2;
	p2 =	seq.s32 @!p0 s5, $0x0  }
0x1f: {  	s9 =	smul.u32 $0xF7A, s1;
	s8 =	simm.s32 @!p0 $0x1BF5;
	p2 =	por !p2, p0  }
0x20: {  	[sflag:s8] =	ssyncset.s32 @!p0 $0xFFFFF086;
	s6 =	sadd.s32 @!p0 s3, s7;
	s7 =	simm.s32 @!p0 $0x108  }
0x21: {  	s3 =	sadd.s32 s3, s9;
	s6 =	sadd.s32 @!p0 $0x88, s6;
	s7 =	simm.s32 @p2 $0x1082  }
0x22: {  	[simem:s7], [sflag:s8] =	dma.local @!p0 [hbm:s6], $0xF7A  }
0x23: {  	s9 =	sor.u32 $0xD0000000, s2;
	s6 =	simm.s32 $0x108;
	_ =	swait.ge @!p0 [sflag:s8], $0x0  }
0x24: {  	s3 =	sadd.s32 $0x88, s3;
	s6 =	simm.s32 @!p1 $0x1082;
	[sflag:s4] =	ssyncset.s32 $0xFFFFF086  }
0x25: {  	[simem:s6], [sflag:s4] =	dma.local [hbm:s3], $0xF7A  }
0x26: {  	[smem:$0x3F9D] =	sst s1;
	(tag) =	ssettag s2;
	_ =	strace s9  }
0x27: {  	s1 =	sld [smem:$0x3FAD]  }
0x28: {  	s2 =	sld [smem:$0x3FAE]  }
0x29: {  	s4 =	sld [smem:$0x3FB0]  }
0x2a: {  	p0 =	seq.s32 s5, $0x0;
	s5 =	sld [smem:$0x3FB1]  }
0x2b: {  	s6 =	sld [smem:$0x3FB2]  }
0x2c: {  	s7 =	sld [smem:$0x3FB3]  }
0x2d: {  	s3 =	simm.s32 $0x108;
	s8 =	sld [smem:$0x3FB4]  }
0x2e: {  	s3 =	simm.s32 @!p0 $0x1082;
	s9 =	sld [smem:$0x3FB5]  }
0x2f: {  	lr =	sadd.s32 s0, s3;
	s0 =	sld [smem:$0x3FAC]  }
0x30: {  	s3 =	sld [smem:$0x3FAF]  }
0x31: {  	[smem:$0x3FB8] =	sst s10  }
0x32: {  	s10 =	sld [smem:$0x3FB6];
	_ =	sdelay $0x3  }
0x33: {  	p0 =	seq.s32 s10, $0x1;
	s10 =	sld [smem:$0x3FB8];
	_ =	sdelay $0x3  }
0x34: {  	[smem:$0x3FB8] =	sst s10  }
0x35: {  	s10 =	sld [smem:$0x3FB7];
	_ =	sdelay $0x3  }
0x36: {  	p1 =	seq.s32 s10, $0x1;
	s10 =	sld [smem:$0x3FB8];
	_ =	sdelay $0x3  }
0x37: {  	[smem:$0x3FB8] =	sst s10  }
0x38: {  	s10 =	sld [smem:$0x3FB9]  }
0x39: {  	_ = 	snop;
	(pc) =	sbr.ind lr, $3  }
0x3a: {  	_ = 	snop  }
0x3b: {  	_ = 	snop  }
0x3c: {  	p2 =	seq.s32 s10, $0x1;
	s10 =	sld [smem:$0x3FB8]  }
0x3d: {  	_ =	shalt  }
0x3e: {  	_ =	shalt  }
0x3f: {  	_ =	shalt  }
0x40: {  	_ =	shalt  }
0x41: {  	_ =	shalt  }
0x42: {  	_ =	shalt  }
0x43: {  	_ =	shalt  }
0x44: {  	_ =	shalt  }
0x45: {  	_ =	shalt  }
0x46: {  	_ =	shalt  }
0x47: {  	_ =	shalt  }
0x48: {  	_ =	shalt  }
0x49: {  	_ =	shalt  }
0x4a: {  	_ =	shalt  }
0x4b: {  	_ =	shalt  }
0x4c: {  	_ =	shalt  }
0x4d: {  	_ =	shalt  }
0x4e: {  	_ =	shalt  }
0x4f: {  	_ =	shalt  }
0x50: {  	_ =	shalt  }
0x51: {  	_ =	shalt  }
0x52: {  	_ =	shalt  }
0x53: {  	_ =	shalt  }
0x54: {  	_ =	shalt  }
0x55: {  	_ =	shalt  }
0x56: {  	_ =	shalt  }
0x57: {  	_ =	shalt  }
0x58: {  	_ =	shalt  }
0x59: {  	_ =	shalt  }
0x5a: {  	_ =	shalt  }
0x5b: {  	_ =	shalt  }
0x5c: {  	_ =	shalt  }
0x5d: {  	_ =	shalt  }
0x5e: {  	_ =	shalt  }
0x5f: {  	_ =	shalt  }
0x60: {  	_ =	shalt  }
0x61: {  	_ =	shalt  }
0x62: {  	_ =	shalt  }
0x63: {  	_ =	shalt  }
0x64: {  	_ =	shalt  }
0x65: {  	_ =	shalt  }
0x66: {  	_ =	shalt  }
0x67: {  	_ =	shalt  }
0x68: {  	_ =	shalt  }
0x69: {  	_ =	shalt  }
0x6a: {  	_ =	shalt  }
0x6b: {  	_ =	shalt  }
0x6c: {  	_ =	shalt  }
0x6d: {  	_ =	shalt  }
0x6e: {  	_ =	shalt  }
0x6f: {  	_ =	shalt  }
0x70: {  	_ =	shalt  }
0x71: {  	_ =	shalt  }
0x72: {  	_ =	shalt  }
0x73: {  	_ =	shalt  }
0x74: {  	_ =	shalt  }
0x75: {  	_ =	shalt  }
0x76: {  	_ =	shalt  }
0x77: {  	_ =	shalt  }
0x78: {  	_ =	shalt  }
0x79: {  	_ =	shalt  }
0x7a: {  	_ =	shalt  }
0x7b: {  	_ =	shalt  }
0x7c: {  	_ =	shalt  }
0x7d: {  	_ =	shalt  }
0x7e: {  	_ =	shalt  }
0x7f: {  	_ =	shalt  }
0x80: {  	_ =	shalt  }
0x81: {  	_ =	shalt  }
0x82: {  	_ =	shalt  }
0x83: {  	_ =	shalt  }
0x84: {  	_ =	shalt  }
0x85: {  	_ =	shalt  }
0x86: {  	_ =	shalt  }
0x87: {  	_ =	shalt  }
.Lfunc_end0:
.L_simem_size_0:
called_computation_lowered:
.L_overlay_start_0:
0x88: {  	s2 =	sld [smem:$0x3FD9]  }
0x89: {  	s3 =	sld [smem:$0x3FFE];
	_ =	sdelay $0x1  }
0x8a: {  	s1 =	srdreg.scid  }
0x8b: {  	s0 =	sand.u32 $0x1, s1  }
0x8c: {  	s17 =	sshll.u32 s0, $0xA;
	s2 =	sadd.s32 s3, s2  }
0x8d: {  	s2 =	sadd.s32 s2, s17  }
0x8e: {  	[smem:$0x3FC4] =	sst s2  }
0x8f: {  	_ = 	snop  }
0x90: {  	s2 =	sld [smem:$0x3FC9]  }
0x91: {  	s18 =	sld [smem:$0x3FD0];
	(tm) =	ssettm $0x1  }
0x92: {  	s4 =	sld [smem:$0x3FFB];
	_ =	sdelay $0x3  }
0x93: {  	_ =	strace s4  }
0x94: {  	s4 =	sld [smem:$0x3FFC];
	_ =	sdelay $0x3  }
0x95: {  	_ =	strace s4  }
0x96: {  	s4 =	sld [smem:$0x3FFD];
	_ =	sdelay $0x3  }
0x97: {  	_ =	strace s4  }
0x98: {  	_ =	strace $0x8FFFFFFF  }
0x99: {  	s19 =	sld [smem:$0x3FDB];
	_ =	sdelay $0x1  }
0x9a: {  	s5 =	simm.s32 $_scs_section_size  }
0x9b: {  	s6 =	simm.s32 $_size__tile_overlayer_lowered;
	s7 =	simm.s32 $_tile_overlayer_lowered  }
0x9c: {  	s22 =	simm.s32 $0x1BFF;
	s21 =	sshll.u32 s7, $0x1;
	s4 =	sadd.s32 s5, s19  }
0x9d: {  	s8 =	simm.s32 $0x0;
	s20 =	sshll.u32 s6, $0x1;
	s6 =	sadd.s32 s21, s4  }
0x9e: {  	[timem:s8], [sflag:s22] =	dma.local [hbm:s6], s20  }
0x9f: {  	_ =	swait.ge [sflag:s22], s20  }
0xa0: {  	s5 =	ssub.s32 $0x0, s20;
	[sflag:s22] =	ssyncset.done $0x0  }
0xa1: {  	[sflag:s22] =	ssyncadd.s32 s5;
	_ =	sdelay $0x1  }
0xa2: {  	s23 =	simm.s32 $0x1B8B  }
0xa3: {  	_ =	swait.ge [sflag:s23], $0x1  }
0xa4: {  	[sflag:s23] =	ssyncset.done $0x0  }
0xa5: {  	s25 =	simm.s32 $0x1B8E;
	s24 =	sld [smem:$0x3FFE];
	[sflag:s23] =	ssyncadd.s32 $0xFFFFFFFF  }
0xa6: {  	s26 =	simm.s32 $execute0_lowered;
	[smem:$0x3FD2] =	sst s25  }
0xa7: {  	s6 =	sshll.u32 s26, $0x1;
	_ =	strace $0x80000046;
	[dreg:$0x1] =	wrdreg $0xFFFFFFFF  }
0xa8: {  	s28 =	simm.s32 $_size_execute0_lowered;
	s4 =	sadd.s32 s4, s6;
	[dreg:$0x0] =	wrdreg $0x0  }
0xa9: {  	s6 =	sshll.u32 s28, $0x1;
	[dreg:$0x2] =	wrdreg s4  }
0xaa: {  	[dreg:$0x3] =	wrdreg s6  }
0xab: {  	[dreg:$0x4] =	wrdreg $0xC0  }
0xac: {  	_ =	task [dreg:s8], $0x5FFFF  }
0xad: {  	[dreg:$0x1] =	wrdreg $0xFFFFFFFF  }
0xae: {  	[dreg:$0x0] =	wrdreg $0x60  }
0xaf: {  	[dreg:$0x2] =	wrdreg s2  }
0xb0: {  	[dreg:$0x3] =	wrdreg s24  }
0xb1: {  	[dreg:$0x4] =	wrdreg s18  }
0xb2: {  	[dreg:$0x5] =	wrdreg $0xA6000  }
0xb3: {  	[dreg:$0x6] =	wrdreg $0x1E6000  }
0xb4: {  	[dreg:$0x7] =	wrdreg $0x9  }
0xb5: {  	_ =	task.clear_ibuf [dreg:s8], $0x8FFFF;
	_ =	strace $0x90000046  }
0xb6: {  	s29 =	simm.s32 $0x9;
	_ =	strace $0x80000048  }
0xb7: {  	_ =	swait.ge [sflag:s29], $0x1  }
0xb8: {  	[sflag:s29] =	ssyncadd.s32 $0xFFFFFFFF  }
0xb9: {  	_ =	strace $0x90000048  }
0xba: {  	_ =	sfence  }
0xbb: {  	s30 =	sld [smem:$0x0];
	_ =	sdelay $0x2  }
0xbc: {  	s31 =	sshll.u32 s1, $0xD;
	s1 =	sshrl.u32 s1, $0x2  }
0xbd: {  	s3 =	sand.u32 $0x4000, s31;
	s1 =	sadd.s32 s1, s30  }
0xbe: {  	s0 =	sor.u32 s3, s0;
	s1 =	sshll.u32 s1, $0x11  }
0xbf: {  	s0 =	sor.u32 s1, s0  }
0xc0: {  	s0 =	sadd.s32 $0x8F2B, s0  }
0xc1: {  	[sflag:s0] =	ssyncadd.remote.s32 $0x1  }
0xc2: {  	_ =	sfence.sel $0xFFFF  }
0xc3: {  	[dreg:$0x0] =	wrdreg $0xFFFFFFFF;
	(pc) =	sbr.abs _section_cstart, $3  }
0xc4: {  	[dreg:$0x1] =	wrdreg $0xFFFFFFFF  }
0xc5: {  	_ =	task.clear_ibuf [dreg:s8], $0x2FFFF;
	_ =	strace $0x9FFFFFFF  }
0xc6: {  	(tm) =	ssettm $0x7FFFFFFF  }
0xc7: {  	_ =	shalt  }
tec
execute0_lowered:
.L_overlay_start_1:
0x0: {  	(tag) =	ssettag $0x1  }
0x1: {  	s0 =	rddreg [dreg:$0x0]  }
0x2: {  	s1 =	rddreg [dreg:$0x1];
	s13 =	stileid.u32  }
0x3: {  	s14 =	rddreg [dreg:$0x2];
	s7 =	smul.u32 $0x14000, s13  }
0x4: {  	s2 =	srdreg.scid;
	s8 =	smul.u32 $0x500, s13  }
0x5: {  	s4 =	rddreg [dreg:$0x3];
	s10 =	smul.u32 $0x50000, s13  }
0x6: {  	s5 =	rddreg [dreg:$0x4];
	s6 =	simm.s32 $0x0;
	s12 =	smul.u32 $0xA00, s13  }
0x7: {  	s2 =	sand.u32 $0x1, s2;
	[smem:$0x7FF] =	sst s6;
	s17 =	smul.u32 $0x2710, s13  }
0x8: {  	s3 =	smul.u32 $0x140000, s2;
	_ =	strace $0x80000047;
	s9 =	sshll.u32 s2, $0x7  }
0x9: {  	s24 =	sshll.u32 s2, $0x4;
	s11 =	ssub.s32 $0x2, s2;
	s2 =	smul.u32 $0x27100, s2  }
0xa: {  	s8 =	sor.u32 s9, s8;
	s9 =	sor.u32 s13, s24;
	s25 =	sshrl.u32 s11, $0x1  }
0xb: {  	s10 =	sshrl.u32 s10, $0x2;
	s26 =	sshrl.u32 s12, $0x2;
	s3 =	sadd.s32 s7, s3  }
0xc: {  	s7 =	sadd.s32 $0xE00, s1;
	s8 =	sshrl.u32 s8, $0x3;
	s9 =	smul.u32 $0x2710, s9  }
0xd: {  	s21 =	sadd.s32 s10, s4;
	s22 =	sadd.s32 s26, s5;
	s2 =	sadd.s32 s17, s2  }
0xe: {  	s3 =	sshrl.u32 s3, $0x3;
	s24 =	sadd.s32 $0x230, s2;
	[dreg:$0x6] =	wrdreg s21  }
0xf: {  	s17 =	sadd.s32 $0x7800, s21;
	[dreg:$0x7] =	wrdreg s22;
	s3 =	sadd.s32 s3, s1  }
0x10: {  	s1 =	sadd.s32 s8, s1;
	s8 =	ssub.s32 s11, s25;
	s9 =	sshrl.u32 s9, $0x3  }
0x11: {  	s25 =	sshrl.u32 s24, $0x3;
	[dreg:$0x19] =	wrdreg s17;
	s24 =	sadd.s32 $0x11800, s21  }
0x12: {  	s11 =	sadd.s32 s7, s9;
	[dreg:$0x1d] =	wrdreg s24  }
0x13: {  	s12 =	sadd.s32 s14, s9;
	[dreg:$0x8] =	wrdreg s11  }
0x14: {  	s3 =	sadd.s32 $0xB600, s3;
	[dreg:$0x9] =	wrdreg s12  }
0x15: {  	s28 =	simm.s32 $0x5;
	s1 =	sadd.s32 $0xAC00, s1;
	[dreg:$0x10] =	wrdreg s3  }
0x16: {  	s30 =	simm.s32 $0x50;
	s26 =	smax.u32 s8, $0x1;
	[dreg:$0x11] =	wrdreg s1  }
0x17: {  	s15 =	sadd.s32 $0xA, s9;
	s8 =	sadd.s32 s25, s14;
	[dreg:$0x12] =	wrdreg s26  }
0x18: {  	s31 =	simm.s32 $0x3;
	s18 =	sadd.s32 s7, s15;
	[dreg:$0x13] =	wrdreg s8  }
0x19: {  	s16 =	sadd.s32 $0x14, s9;
	s10 =	sadd.s32 s14, s15;
	[dreg:$0xa] =	wrdreg s18  }
0x1a: {  	s29 =	simm.s32 $0x4;
	s19 =	sadd.s32 s7, s16;
	[dreg:$0xb] =	wrdreg s10  }
0x1b: {  	s9 =	sadd.s32 $0x1E, s9;
	s20 =	sadd.s32 s14, s16;
	[dreg:$0xc] =	wrdreg s19  }
0x1c: {  	s23 =	sadd.s32 s7, s9;
	s9 =	sadd.s32 s14, s9;
	[dreg:$0xd] =	wrdreg s20  }
0x1d: {  	s1 =	sadd.s32 s25, s7;
	s11 =	sadd.s32 $0x190, s2;
	[dreg:$0xe] =	wrdreg s23  }
0x1e: {  	s15 =	sadd.s32 $0x2800, s21;
	s16 =	sadd.s32 $0x5000, s21;
	[dreg:$0xf] =	wrdreg s9  }
0x1f: {  	s3 =	simm.s32 $0x7;
	s8 =	simm.s32 $0x2;
	[dreg:$0x14] =	wrdreg s1  }
0x20: {  	s9 =	sadd.s32 $0x1E0, s2;
	s13 =	sshrl.u32 s11, $0x3;
	[dreg:$0x17] =	wrdreg s15  }
0x21: {  	s23 =	smov.u32 s7;
	[dreg:$0x18] =	wrdreg s16;
	s18 =	sadd.s32 $0xA000, s21  }
0x22: {  	s19 =	sadd.s32 $0xC800, s21;
	s20 =	sadd.s32 $0xF000, s21;
	s16 =	simm.s32 $0xA1D0  }
0x23: {  	s15 =	simm.s32 $0xA300;
	s11 =	simm.s32 $0x8;
	[dreg:$0x1a] =	wrdreg s18  }
0x24: {  	s10 =	sshrl.u32 s9, $0x3;
	s25 =	sadd.s32 s13, s14;
	[dreg:$0x1b] =	wrdreg s19  }
0x25: {  	s26 =	sadd.s32 s13, s7;
	[dreg:$0x1c] =	wrdreg s20;
	s18 =	simm.s32 $0xA220  }
.Ltmp0:
0x26: {  	s19 =	simm.s32 $0xA0F0;
	s12 =	sadd.s32 s10, s14;
	(pc) =	sbr.rel .LBB2_1-.Ltmp0, $4  }
0x27: {  	s20 =	simm.s32 $0xA270;
	s1 =	sadd.s32 s10, s7;
	[dreg:$0x15] =	wrdreg s12  }
0x28: {  	s9 =	simm.s32 $0x7800;
	s14 =	sadd.s32 $0x140, s2;
	[dreg:$0x1e] =	wrdreg s1  }
0x29: {  	s10 =	simm.s32 $0x1;
	s7 =	simm.s32 $0x0;
	[dreg:$0x16] =	wrdreg s14  }
0x2a: {  	v0 =	vimm.f32 $0.0e+00;
	v1 =	vimm.f32 $1.000000000e+00;
	s12 =	simm.s32 $0x9;
	s14 =	simm.s32 $0xA180;
	s1 =	simm.s32 $0x5000  }
.LBB2_6:
0x2b: {  	s28 =	simm.s32 $0x5  }
0x2c: {  	_ =	swait.ge [sflag:s28], $0x50  }
0x2d: {  	[sflag:s28] =	ssyncset.done $0x0  }
0x2e: {  	[sflag:s28] =	ssyncadd.s32 $0xFFFFFFB0  }
0x2f: {  	_ =	swait.ge [sflag:s28], $0x50  }
0x30: {  	[sflag:s28] =	ssyncset.done $0x0  }
0x31: {  	[sflag:s28] =	ssyncadd.s32 $0xFFFFFFB0  }
0x32: {  	[tilespmem:s6], [sflag:$0x1] =	stream.indirect.gather [hbm4b:s0+s30], $0x80, s24, s30, $0xb8;
	[tilespmem:$0x1E880] =	vst v63  }
0x33: {  	_ =	swait.ge [sflag:s10], $0x2800  }
0x34: {  	[sflag:s10] =	ssyncset.done $0x0  }
0x35: {  	[sflag:s10] =	ssyncadd.s32 $0xFFFFD800  }
0x36: {  	[spmem:s4] =	stream.indirect.scatter.add.f32 [tilespmem:s6], [sflag:$0x9], $0x80, s14, s30, $0xb8;
	[tilespmem:$0x1E880] =	vst v63  }
0x37: {  	_ =	swait.ge [sflag:s12], $0x2800  }
0x38: {  	[sflag:s12] =	ssyncset.done $0x0  }
0x39: {  	[sflag:s12] =	ssyncadd.s32 $0xFFFFD800  }
0x3a: {  	[spmem:s5] =	stream.indirect.scatter.add.f32 [tilespmem:s15], [sflag:$0x9], $0x1, s14, s30, $0xb8;
	[tilespmem:$0x1E880] =	vst v63  }
0x3b: {  	_ =	swait.ge [sflag:s12], $0x50  }
0x3c: {  	[sflag:s12] =	ssyncset.done $0x0  }
0x3d: {  	[sflag:s12] =	ssyncadd.s32 $0xFFFFFFB0  }
0x3e: {  	s2 =	stileid.u32;
	[bflag:$0x0] =	sbarrier.arrive $0xFFFF  }
0x3f: {  	s2 =	sshll.u32 s2, $0x6;
	s21 =	rddreg [dreg:$0x6]  }
0x40: {  	s2 =	sor.u32 $0x1C09, s2;
	s13 =	rddreg [dreg:$0x10];
	s7 =	sshrl.u32 s21, $0x3  }
0x41: {  	[hbm:s13], [sflag:s2] =	dma.local [spmem:s7], $0x2800  }
0x42: {  	s17 =	simm.s32 $0x20;
	_ =	swait.ge [sflag:s12], $0x2800  }
0x43: {  	s24 =	simm.s32 $0x10;
	[sflag:s12] =	ssyncset.done $0x0;
	s22 =	rddreg [dreg:$0x7]  }
0x44: {  	s13 =	rddreg [dreg:$0x11];
	[sflag:s12] =	ssyncadd.s32 $0xFFFFD800;
	s7 =	sshrl.u32 s22, $0x3  }
0x45: {  	[hbm:s13@s17], [sflag:s2] =	dma.strided [spmem:s7@s24], $0x50, s10, $0x10   }
0x46: {  	_ =	swait.ge [sflag:s12], $0x50  }
0x47: {  	s17 =	rddreg [dreg:$0x1f]  }
0x48: {  	s24 =	rddreg [dreg:$0x12];
	s7 =	sadd.s32 $0x1, s17  }
0x49: {  	p0 =	sne.s32 s7, s24  }
.Ltmp1:
0x4a: {  	_ = 	snop;
	(pc) =	sbr.rel @!p0 .LBB2_7-.Ltmp1, $3  }
0x4b: {  	_ =	sdelay $0x1  }
0x4c: {  	[sflag:s12] =	ssyncset.done $0x0  }
0x4d: {  	[sflag:s12] =	ssyncadd.s32 $0xFFFFFFB0  }
.LBB2_1:
0x4e: {  	[dreg:$0x1f] =	wrdreg s7;
	s2 =	simm.s32 $0x0;
	s17 =	simm.s32 $0x200  }
.LBB2_2:
0x4f: {  	p0 =	sne.s32 s17, $0x9E00;
	[tilespmem:s2+$0x70] =	vst v0  }
0x50: {  	[tilespmem:s2+$0x0] =	vst v0  }
0x51: {  	[tilespmem:s2+$0x10] =	vst v0  }
.Ltmp2:
0x52: {  	[tilespmem:s2+$0x20] =	vst v0;
	(pc) =	sbr.rel @p0 .LBB2_2-.Ltmp2, $4  }
0x53: {  	[tilespmem:s2+$0x30] =	vst v0  }
0x54: {  	[tilespmem:s2+$0x40] =	vst v0  }
0x55: {  	[tilespmem:s2+$0x50] =	vst v0  }
0x56: {  	[tilespmem:s2+$0x60] =	vst v0;
	s2 =	sshra.s32 s17, $0x2;
	s17 =	sadd.s32 $0x200, s17  }
0x57: {  	[tilespmem:s2+$0x70] =	vst v0  }
0x58: {  	[tilespmem:s2+$0x0] =	vst v0  }
0x59: {  	[tilespmem:s2+$0x10] =	vst v0  }
0x5a: {  	[tilespmem:s2+$0x20] =	vst v0  }
0x5b: {  	[tilespmem:s2+$0x30] =	vst v0  }
0x5c: {  	[tilespmem:s2+$0x40] =	vst v0  }
0x5d: {  	[tilespmem:s2+$0x50] =	vst v0  }
0x5e: {  	[tilespmem:s2+$0x60] =	vst v0  }
0x5f: {  	[tilespmem:$0xA300] =	vst v1  }
0x60: {  	[tilespmem:$0xA310] =	vst v1  }
0x61: {  	[tilespmem:$0xA320] =	vst v1  }
0x62: {  	[tilespmem:$0xA330] =	vst v1  }
0x63: {  	[tilespmem:$0xA340] =	vst v1  }
0x64: {  	[tilespmem:$0xA380] =	vst v0  }
0x65: {  	[tilespmem:$0xA390] =	vst v0  }
0x66: {  	[tilespmem:$0xA3A0] =	vst v0  }
0x67: {  	[tilespmem:$0xA3B0] =	vst v0  }
0x68: {  	[tilespmem:$0xA3C0] =	vst v0  }
0x69: {  	[tilespmem:$0xA3D0] =	vst v0  }
0x6a: {  	[tilespmem:$0xA3E0] =	vst v0  }
0x6b: {  	[tilespmem:$0xA3F0] =	vst v0  }
0x6c: {  	[tilespmem:$0xA400] =	vst v0  }
0x6d: {  	[tilespmem:$0xA410] =	vst v0  }
0x6e: {  	[tilespmem:$0xA420] =	vst v0  }
0x6f: {  	[tilespmem:$0xA430] =	vst v0  }
0x70: {  	[tilespmem:$0xA440] =	vst v0  }
0x71: {  	[tilespmem:$0xA450] =	vst v0  }
0x72: {  	[tilespmem:$0xA460] =	vst v0  }
0x73: {  	[tilespmem:$0xA470] =	vst v0  }
0x74: {  	[tilespmem:$0xA480] =	vst v0  }
0x75: {  	[tilespmem:$0xA490] =	vst v0  }
0x76: {  	[tilespmem:$0xA4A0] =	vst v0  }
0x77: {  	[tilespmem:$0xA4B0] =	vst v0  }
0x78: {  	[tilespmem:$0xA4C0] =	vst v0  }
0x79: {  	[tilespmem:$0xA4D0] =	vst v0  }
0x7a: {  	[tilespmem:$0xA4E0] =	vst v0  }
0x7b: {  	[tilespmem:$0xA4F0] =	vst v0  }
0x7c: {  	[tilespmem:$0xA500] =	vst v0  }
0x7d: {  	[tilespmem:$0xA510] =	vst v0  }
0x7e: {  	[tilespmem:$0xA520] =	vst v0  }
0x7f: {  	[tilespmem:$0xA530] =	vst v0  }
0x80: {  	[tilespmem:$0xA540] =	vst v0  }
0x81: {  	[tilespmem:$0xA550] =	vst v0  }
0x82: {  	[tilespmem:$0xA560] =	vst v0  }
0x83: {  	[tilespmem:$0xA570] =	vst v0  }
0x84: {  	[tilespmem:$0xA580] =	vst v0  }
0x85: {  	[tilespmem:$0xA590] =	vst v0  }
0x86: {  	[tilespmem:$0xA5A0] =	vst v0  }
0x87: {  	[tilespmem:$0xA5B0] =	vst v0  }
0x88: {  	[tilespmem:$0xA5C0] =	vst v0  }
0x89: {  	[tilespmem:$0xA5D0] =	vst v0  }
0x8a: {  	[tilespmem:$0xA5E0] =	vst v0  }
0x8b: {  	s2 =	simm.s32 $0x0;
	[tilespmem:$0xA5F0] =	vst v0  }
0x8c: {  	[spmem:s21] =	stream.linear.scatter [tilespmem:s2], [sflag:$0x9], $0x2800, $0x38;
	[tilespmem:$0x1E880] =	vst v63  }
0x8d: {  	_ =	swait.ge [sflag:s12], $0x2800  }
0x8e: {  	[sflag:s12] =	ssyncset.done $0x0  }
0x8f: {  	s7 =	rddreg [dreg:$0x17];
	[sflag:s12] =	ssyncadd.s32 $0xFFFFD800  }
0x90: {  	[spmem:s7] =	stream.linear.scatter [tilespmem:s2], [sflag:$0x9], $0x2800, $0x38;
	[tilespmem:$0x1E880] =	vst v63  }
0x91: {  	_ =	swait.ge [sflag:s12], $0x2800  }
0x92: {  	[sflag:s12] =	ssyncset.done $0x0  }
0x93: {  	s24 =	rddreg [dreg:$0x18];
	[sflag:s12] =	ssyncadd.s32 $0xFFFFD800  }
0x94: {  	[spmem:s24] =	stream.linear.scatter [tilespmem:s2], [sflag:$0x9], $0x2800, $0x38;
	[tilespmem:$0x1E880] =	vst v63  }
0x95: {  	_ =	swait.ge [sflag:s12], $0x2800  }
0x96: {  	[sflag:s12] =	ssyncset.done $0x0  }
0x97: {  	s13 =	rddreg [dreg:$0x19];
	[sflag:s12] =	ssyncadd.s32 $0xFFFFD800  }
0x98: {  	[spmem:s13] =	stream.linear.scatter [tilespmem:s2], [sflag:$0x9], $0x2800, $0x38;
	[tilespmem:$0x1E880] =	vst v63  }
0x99: {  	_ =	swait.ge [sflag:s12], $0x2800  }
0x9a: {  	[sflag:s12] =	ssyncset.done $0x0  }
0x9b: {  	s17 =	rddreg [dreg:$0x1a];
	[sflag:s12] =	ssyncadd.s32 $0xFFFFD800  }
0x9c: {  	[spmem:s17] =	stream.linear.scatter [tilespmem:s2], [sflag:$0x9], $0x2800, $0x38;
	[tilespmem:$0x1E880] =	vst v63  }
0x9d: {  	_ =	swait.ge [sflag:s12], $0x2800  }
0x9e: {  	[sflag:s12] =	ssyncset.done $0x0  }
0x9f: {  	s21 =	rddreg [dreg:$0x1b];
	[sflag:s12] =	ssyncadd.s32 $0xFFFFD800  }
0xa0: {  	[spmem:s21] =	stream.linear.scatter [tilespmem:s2], [sflag:$0x9], $0x2800, $0x38;
	[tilespmem:$0x1E880] =	vst v63  }
0xa1: {  	_ =	swait.ge [sflag:s12], $0x2800  }
0xa2: {  	[sflag:s12] =	ssyncset.done $0x0  }
0xa3: {  	s24 =	rddreg [dreg:$0x1c];
	[sflag:s12] =	ssyncadd.s32 $0xFFFFD800  }
0xa4: {  	[spmem:s24] =	stream.linear.scatter [tilespmem:s2], [sflag:$0x9], $0x2800, $0x38;
	[tilespmem:$0x1E880] =	vst v63  }
0xa5: {  	_ =	swait.ge [sflag:s12], $0x2800  }
0xa6: {  	[sflag:s12] =	ssyncset.done $0x0  }
0xa7: {  	s13 =	rddreg [dreg:$0x1d];
	[sflag:s12] =	ssyncadd.s32 $0xFFFFD800  }
0xa8: {  	[spmem:s13] =	stream.linear.scatter [tilespmem:s2], [sflag:$0x9], $0x2800, $0x38;
	[tilespmem:$0x1E880] =	vst v63  }
0xa9: {  	_ =	swait.ge [sflag:s12], $0x2800  }
0xaa: {  	[sflag:s12] =	ssyncset.done $0x0  }
0xab: {  	s17 =	simm.s32 $0xA380;
	[sflag:s12] =	ssyncadd.s32 $0xFFFFD800  }
0xac: {  	[spmem:s22] =	stream.linear.scatter [tilespmem:s17], [sflag:$0x9], $0x280, $0x38;
	[tilespmem:$0x1E880] =	vst v63  }
0xad: {  	_ =	swait.ge [sflag:s12], $0x280  }
0xae: {  	[sflag:s12] =	ssyncset.done $0x0  }
0xaf: {  	[sflag:s12] =	ssyncadd.s32 $0xFFFFFD80  }
0xb0: {  	[bflag:$0x0] =	sbarrier.arrive $0xFFFF  }
0xb1: {  	s13 =	simm.s32 $0xA000;
	s21 =	rddreg [dreg:$0x8]  }
0xb2: {  	[tilespmem:s13], [sflag:$0x5] =	stream.linear.gather [hbm4b:s21+s2], $0x50, $0x38;
	[tilespmem:$0x1E880] =	vst v63  }
0xb3: {  	s22 =	rddreg [dreg:$0x9]  }
0xb4: {  	[tilespmem:s14], [sflag:$0x5] =	stream.linear.gather [hbm4b:s22+s2], $0x50, $0x38;
	[tilespmem:$0x1E880] =	vst v63  }
0xb5: {  	s17 =	simm.s32 $0xA050;
	s24 =	rddreg [dreg:$0xa]  }
0xb6: {  	[tilespmem:s17], [sflag:$0x6] =	stream.linear.gather [hbm4b:s24+s2], $0x50, $0x38;
	[tilespmem:$0x1E880] =	vst v63  }
0xb7: {  	s21 =	rddreg [dreg:$0xb]  }
0xb8: {  	[tilespmem:s16], [sflag:$0x6] =	stream.linear.gather [hbm4b:s21+s2], $0x50, $0x38;
	[tilespmem:$0x1E880] =	vst v63  }
0xb9: {  	s22 =	rddreg [dreg:$0xc];
	s24 =	simm.s32 $0xA0A0  }
0xba: {  	[tilespmem:s24], [sflag:$0x7] =	stream.linear.gather [hbm4b:s22+s2], $0x50, $0x38;
	[tilespmem:$0x1E880] =	vst v63  }
0xbb: {  	s22 =	rddreg [dreg:$0xd]  }
0xbc: {  	[tilespmem:s18], [sflag:$0x7] =	stream.linear.gather [hbm4b:s22+s2], $0x50, $0x38;
	[tilespmem:$0x1E880] =	vst v63  }
0xbd: {  	s24 =	rddreg [dreg:$0xe]  }
0xbe: {  	[tilespmem:s19], [sflag:$0x8] =	stream.linear.gather [hbm4b:s24+s2], $0x50, $0x38;
	[tilespmem:$0x1E880] =	vst v63  }
0xbf: {  	s21 =	rddreg [dreg:$0xf]  }
0xc0: {  	[tilespmem:s20], [sflag:$0x8] =	stream.linear.gather [hbm4b:s21+s2], $0x50, $0x38;
	[tilespmem:$0x1E880] =	vst v63  }
0xc1: {  	_ =	swait.ge [sflag:s28], $0x50  }
0xc2: {  	[sflag:s28] =	ssyncset.done $0x0  }
0xc3: {  	[sflag:s28] =	ssyncadd.s32 $0xFFFFFFB0  }
0xc4: {  	_ =	swait.ge [sflag:s28], $0x50  }
0xc5: {  	[sflag:s28] =	ssyncset.done $0x0  }
0xc6: {  	s22 =	simm.s32 $0x6;
	[sflag:s28] =	ssyncadd.s32 $0xFFFFFFB0  }
0xc7: {  	[tilespmem:s2], [sflag:$0x1] =	stream.indirect.gather [hbm4b:s0+s30], $0x80, s13, s30, $0xb8;
	[tilespmem:$0x1E880] =	vst v63  }
0xc8: {  	_ =	swait.ge [sflag:s22], $0x50  }
0xc9: {  	[sflag:s22] =	ssyncset.done $0x0  }
0xca: {  	[sflag:s22] =	ssyncadd.s32 $0xFFFFFFB0  }
0xcb: {  	_ =	swait.ge [sflag:s22], $0x50  }
0xcc: {  	[sflag:s22] =	ssyncset.done $0x0  }
0xcd: {  	s28 =	simm.s32 $0x2800;
	[sflag:s22] =	ssyncadd.s32 $0xFFFFFFB0  }
0xce: {  	[tilespmem:s28], [sflag:$0x2] =	stream.indirect.gather [hbm4b:s0+s30], $0x80, s17, s30, $0xb8;
	[tilespmem:$0x1E880] =	vst v63  }
0xcf: {  	s24 =	simm.s32 $0xA000;
	s17 =	rddreg [dreg:$0x16]  }
.LBB2_4:
0xd0: {  	_ =	swait.ge [sflag:s3], $0x50  }
0xd1: {  	[sflag:s3] =	ssyncset.done $0x0  }
0xd2: {  	[sflag:s3] =	ssyncadd.s32 $0xFFFFFFB0  }
0xd3: {  	_ =	swait.ge [sflag:s3], $0x50  }
0xd4: {  	[sflag:s3] =	ssyncset.done $0x0  }
0xd5: {  	s7 =	simm.s32 $0xA0A0;
	[sflag:s3] =	ssyncadd.s32 $0xFFFFFFB0  }
0xd6: {  	[tilespmem:s1], [sflag:$0x3] =	stream.indirect.gather [hbm4b:s0+s30], $0x80, s7, s30, $0xb8;
	[tilespmem:$0x1E880] =	vst v63  }
0xd7: {  	_ =	swait.ge [sflag:s10], $0x2800  }
0xd8: {  	[sflag:s10] =	ssyncset.done $0x0  }
0xd9: {  	[sflag:s10] =	ssyncadd.s32 $0xFFFFD800  }
0xda: {  	[spmem:s4] =	stream.indirect.scatter.add.f32 [tilespmem:s6], [sflag:$0x9], $0x80, s14, s30, $0xb8;
	[tilespmem:$0x1E880] =	vst v63  }
0xdb: {  	_ =	swait.ge [sflag:s12], $0x2800  }
0xdc: {  	[sflag:s12] =	ssyncset.done $0x0  }
0xdd: {  	[sflag:s12] =	ssyncadd.s32 $0xFFFFD800  }
0xde: {  	[spmem:s5] =	stream.indirect.scatter.add.f32 [tilespmem:s15], [sflag:$0x9], $0x1, s14, s30, $0xb8;
	[tilespmem:$0x1E880] =	vst v63  }
0xdf: {  	_ =	swait.ge [sflag:s12], $0x50  }
0xe0: {  	s28 =	sshrl.u32 s17, $0x3;
	[sflag:s12] =	ssyncset.done $0x0  }
0xe1: {  	s13 =	sadd.s32 s23, s28;
	[sflag:s12] =	ssyncadd.s32 $0xFFFFFFB0  }
0xe2: {  	[tilespmem:s24], [sflag:$0x5] =	stream.linear.gather [hbm4b:s13+s6], $0x50, $0x38;
	[tilespmem:$0x1E880] =	vst v63  }
0xe3: {  	s21 =	rddreg [dreg:$0x2]  }
0xe4: {  	s22 =	sadd.s32 s21, s28  }
0xe5: {  	[tilespmem:s14], [sflag:$0x5] =	stream.linear.gather [hbm4b:s22+s6], $0x50, $0x38;
	[tilespmem:$0x1E880] =	vst v63  }
0xe6: {  	_ =	swait.ge [sflag:s11], $0x50  }
0xe7: {  	[sflag:s11] =	ssyncset.done $0x0  }
0xe8: {  	[sflag:s11] =	ssyncadd.s32 $0xFFFFFFB0  }
0xe9: {  	_ =	swait.ge [sflag:s11], $0x50  }
0xea: {  	[sflag:s11] =	ssyncset.done $0x0  }
0xeb: {  	[sflag:s11] =	ssyncadd.s32 $0xFFFFFFB0  }
0xec: {  	[tilespmem:s9], [sflag:$0x4] =	stream.indirect.gather [hbm4b:s0+s30], $0x80, s19, s30, $0xb8;
	[tilespmem:$0x1E880] =	vst v63  }
0xed: {  	_ =	swait.ge [sflag:s8], $0x2800  }
0xee: {  	[sflag:s8] =	ssyncset.done $0x0  }
0xef: {  	s28 =	simm.s32 $0x2800;
	[sflag:s8] =	ssyncadd.s32 $0xFFFFD800  }
0xf0: {  	[spmem:s4] =	stream.indirect.scatter.add.f32 [tilespmem:s28], [sflag:$0x9], $0x80, s16, s30, $0xb8;
	[tilespmem:$0x1E880] =	vst v63  }
0xf1: {  	_ =	swait.ge [sflag:s12], $0x2800  }
0xf2: {  	[sflag:s12] =	ssyncset.done $0x0  }
0xf3: {  	[sflag:s12] =	ssyncadd.s32 $0xFFFFD800  }
0xf4: {  	[spmem:s5] =	stream.indirect.scatter.add.f32 [tilespmem:s15], [sflag:$0x9], $0x1, s16, s30, $0xb8;
	[tilespmem:$0x1E880] =	vst v63  }
0xf5: {  	p0 =	seq.s32 s2, $0x4B0;
	_ =	swait.ge [sflag:s12], $0x50  }
0xf6: {  	s7 =	simm.s32 @!p0 $0xA050;
	[sflag:s12] =	ssyncset.done $0x0  }
0xf7: {  	s13 =	sadd.s32 @!p0 s2, s26;
	s28 =	simm.s32 @!p0 $0x0;
	[sflag:s12] =	ssyncadd.s32 $0xFFFFFFB0  }
0xf8: {  	[tilespmem:s7], [sflag:$0x6] =	stream.linear.gather @!p0 [hbm4b:s13+s28], $0x50, $0x38;
	[tilespmem:$0x1E880] =	vst v63  }
0xf9: {  	s21 =	simm.s32 @!p0 $0xA1D0;
	s13 =	sadd.s32 @!p0 s2, s25  }
0xfa: {  	[tilespmem:s21], [sflag:$0x6] =	stream.linear.gather @!p0 [hbm4b:s13+s28], $0x50, $0x38;
	[tilespmem:$0x1E880] =	vst v63  }
0xfb: {  	s13 =	simm.s32 @!p0 $0x5  }
0xfc: {  	_ =	swait.ge @!p0 [sflag:s13], $0x50  }
0xfd: {  	[sflag:s13] =	ssyncset.done @!p0 $0x0  }
0xfe: {  	[sflag:s13] =	ssyncadd.s32 @!p0 $0xFFFFFFB0  }
0xff: {  	_ =	swait.ge @!p0 [sflag:s13], $0x50  }
0x100: {  	[sflag:s13] =	ssyncset.done @!p0 $0x0  }
0x101: {  	s21 =	simm.s32 @!p0 $0xA000;
	[sflag:s13] =	ssyncadd.s32 @!p0 $0xFFFFFFB0;
	s13 =	simm.s32 @!p0 $0x50  }
0x102: {  	[tilespmem:s28], [sflag:$0x1] =	stream.indirect.gather @!p0 [hbm4b:s0+s13], $0x80, s21, s13, $0xb8;
	[tilespmem:$0x1E880] =	vst v63  }
0x103: {  	_ =	swait.ge [sflag:s31], $0x2800  }
0x104: {  	[sflag:s31] =	ssyncset.done $0x0  }
0x105: {  	[sflag:s31] =	ssyncadd.s32 $0xFFFFD800  }
0x106: {  	[spmem:s4] =	stream.indirect.scatter.add.f32 [tilespmem:s1], [sflag:$0x9], $0x80, s18, s30, $0xb8;
	[tilespmem:$0x1E880] =	vst v63  }
0x107: {  	_ =	swait.ge [sflag:s12], $0x2800  }
0x108: {  	[sflag:s12] =	ssyncset.done $0x0  }
0x109: {  	[sflag:s12] =	ssyncadd.s32 $0xFFFFD800  }
0x10a: {  	[spmem:s5] =	stream.indirect.scatter.add.f32 [tilespmem:s15], [sflag:$0x9], $0x1, s18, s30, $0xb8;
	[tilespmem:$0x1E880] =	vst v63  }
0x10b: {  	_ =	swait.ge [sflag:s12], $0x50  }
0x10c: {  	[sflag:s12] =	ssyncset.done $0x0;
	s21 =	rddreg [dreg:$0x1e]  }
0x10d: {  	s22 =	simm.s32 @!p0 $0xA0A0;
	[sflag:s12] =	ssyncadd.s32 $0xFFFFFFB0;
	s21 =	sadd.s32 @!p0 s2, s21  }
0x10e: {  	[tilespmem:s22], [sflag:$0x7] =	stream.linear.gather @!p0 [hbm4b:s21+s28], $0x50, $0x38;
	[tilespmem:$0x1E880] =	vst v63  }
0x10f: {  	s21 =	rddreg [dreg:$0x15]  }
0x110: {  	s22 =	simm.s32 @!p0 $0xA220;
	s21 =	sadd.s32 @!p0 s2, s21  }
0x111: {  	[tilespmem:s22], [sflag:$0x7] =	stream.linear.gather @!p0 [hbm4b:s21+s28], $0x50, $0x38;
	[tilespmem:$0x1E880] =	vst v63  }
0x112: {  	s21 =	simm.s32 @!p0 $0x6  }
0x113: {  	_ =	swait.ge @!p0 [sflag:s21], $0x50  }
0x114: {  	[sflag:s21] =	ssyncset.done @!p0 $0x0  }
0x115: {  	[sflag:s21] =	ssyncadd.s32 @!p0 $0xFFFFFFB0  }
0x116: {  	_ =	swait.ge @!p0 [sflag:s21], $0x50  }
0x117: {  	[sflag:s21] =	ssyncset.done @!p0 $0x0  }
0x118: {  	[sflag:s21] =	ssyncadd.s32 @!p0 $0xFFFFFFB0;
	s21 =	simm.s32 @!p0 $0x2800  }
0x119: {  	[tilespmem:s21], [sflag:$0x2] =	stream.indirect.gather @!p0 [hbm4b:s0+s13], $0x80, s7, s13, $0xb8;
	[tilespmem:$0x1E880] =	vst v63  }
0x11a: {  	_ =	swait.ge [sflag:s29], $0x2800  }
0x11b: {  	[sflag:s29] =	ssyncset.done $0x0  }
0x11c: {  	[sflag:s29] =	ssyncadd.s32 $0xFFFFD800  }
0x11d: {  	[spmem:s4] =	stream.indirect.scatter.add.f32 [tilespmem:s9], [sflag:$0x9], $0x80, s20, s30, $0xb8;
	[tilespmem:$0x1E880] =	vst v63  }
0x11e: {  	_ =	swait.ge [sflag:s12], $0x2800  }
0x11f: {  	[sflag:s12] =	ssyncset.done $0x0  }
.Ltmp3:
0x120: {  	[sflag:s12] =	ssyncadd.s32 $0xFFFFD800;
	(pc) =	sbr.rel @p0 .LBB2_6-.Ltmp3, $4  }
0x121: {  	[spmem:s5] =	stream.indirect.scatter.add.f32 [tilespmem:s15], [sflag:$0x9], $0x1, s20, s30, $0xb8;
	[tilespmem:$0x1E880] =	vst v63  }
0x122: {  	_ =	swait.ge [sflag:s12], $0x50  }
0x123: {  	[sflag:s12] =	ssyncset.done $0x0  }
0x124: {  	[sflag:s12] =	ssyncadd.s32 $0xFFFFFFB0  }
.Ltmp4:
0x125: {  	s7 =	rddreg [dreg:$0x14];
	(pc) =	sbr.rel .LBB2_4-.Ltmp4, $4  }
0x126: {  	s28 =	rddreg [dreg:$0x13];
	s7 =	sadd.s32 s2, s7  }
0x127: {  	[tilespmem:s19], [sflag:$0x8] =	stream.linear.gather [hbm4b:s7+s6], $0x50, $0x38;
	[tilespmem:$0x1E880] =	vst v63  }
0x128: {  	s17 =	sadd.s32 $0x140, s17;
	s7 =	sadd.s32 s2, s28;
	s2 =	sadd.s32 $0x28, s2  }
0x129: {  	[tilespmem:s20], [sflag:$0x8] =	stream.linear.gather [hbm4b:s7+s6], $0x50, $0x38;
	[tilespmem:$0x1E880] =	vst v63  }
.LBB2_7:
0x12a: {  	_ =	sfence.sel $0x180000  }
0x12b: {  	[bflag:$0x0] =	sbarrier.arrive $0xFFFF  }
0x12c: {  	_ =	strace $0x90000047  }
0x12d: {  	s0 =	stileid.u32;
	[bflag:$0x2] =	sbarrier.arrive $0xFFFF  }
0x12e: {  	p0 =	sne.s32 s0, $0x0;
	s0 =	rddreg [dreg:$0x5]  }
0x12f: {  	s0 =	sadd.s32 @!p0 $0x100000, s0  }
0x130: {  	[sflag:s0] =	ssyncadd.tile.s32 @!p0 $0x1;
	_ =	shalt  }
.Lfunc_end2:
_tile_overlayer_lowered:
.L_overlay_start_2:
0x131: {  	(tag) =	ssettag $0x2  }
0x132: {  	s0 =	rddreg [dreg:$0x0];
	s2 =	stileid.u32  }
0x133: {  	s1 =	rddreg [dreg:$0x1];
	p0 =	sne.s32 s2, $0x0  }
0x134: {  	s3 =	rddreg [dreg:$0x2];
	[bflag:$0x3] =	sbarrier.arrive $0xFFFF;
	s2 =	simm.s32 @!p0 $0x1C09  }
0x135: {  	[timem:s3], [sflag:s2] =	dma.local @!p0 [hbm:s0], s1  }
0x136: {  	s0 =	simm.s32 @!p0 $0x9  }
0x137: {  	_ =	swait.ge @!p0 [sflag:s0], s1  }
0x138: {  	s1 =	ssub.s32 @!p0 $0x0, s1;
	[sflag:s0] =	ssyncset.done @!p0 $0x0  }
0x139: {  	[sflag:s0] =	ssyncadd.s32 @!p0 s1  }
0x13a: {  	[bflag:$0x3] =	sbarrier.arrive $0xFFFF  }
0x13b: {  	_ =	shalt  }

</sc_bundles>
